<compile_context>
chip_gen: v7x
topology: tpu7x:2x2x1
jax: 0.10.2.dev20260603
libtpu: 0.0.44.dev20260713+nightly
codegen_flags: <defaults>
</compile_context>

<pallas_src>
import functools

import jax
import jax.numpy as jnp
from jax import lax
from jax.experimental import pallas as pl
from jax.experimental.pallas import tpu as pltpu
from jax.experimental.pallas import tpu_sc as plsc

EMBED_DIM = 300
DP = 304
BATCH = 4096
SEQ = 200
TOTAL = BATCH * SEQ
NUM_WORKERS = 32
PER_WORKER = TOTAL // NUM_WORKERS
CH = 50
CPS = SEQ // CH
NCHUNKS = PER_WORKER // CH
HALF = NCHUNKS // 2

_mesh = plsc.VectorSubcoreMesh(core_axis_name="c", subcore_axis_name="s")


@functools.partial(
    pl.kernel,
    out_type=jax.ShapeDtypeStruct((BATCH, SEQ, EMBED_DIM), jnp.float32),
    mesh=_mesh,
    scratch_types=[
        pltpu.VMEM((NCHUNKS, CH), jnp.int32),
        pltpu.VMEM((CH, DP), jnp.float32),
        pltpu.VMEM((CH, DP), jnp.float32),
        pltpu.VMEM((CH, EMBED_DIM), jnp.float32),
        pltpu.VMEM((CH, EMBED_DIM), jnp.float32),
        pltpu.SemaphoreType.DMA,
        pltpu.SemaphoreType.DMA,
        pltpu.SemaphoreType.DMA,
        pltpu.SemaphoreType.DMA,
    ],
    compiler_params=pltpu.CompilerParams(use_tc_tiling_on_sc=False),
)
def _embedding_gather(idx_hbm, table_hbm, out_hbm,
                      idx_v, buf0, buf1, rows0, rows1,
                      sg0, sg1, sw0, sw1):
    wid = lax.axis_index("s") * 2 + lax.axis_index("c")
    wrow = wid * NCHUNKS
    wsample = wid * (PER_WORKER // SEQ)

    pltpu.sync_copy(idx_hbm.at[pl.ds(wrow, NCHUNKS)], idx_v)

    buf = (buf0, buf1)
    rows = (rows0, rows1)
    sg = (sg0, sg1)
    sw = (sw0, sw1)

    def start(s, j):
        pltpu.async_copy(table_hbm.at[idx_v.at[j]], buf[s], sg[s])

    def finish(s, j):
        pltpu.make_async_copy(table_hbm.at[idx_v.at[j]], buf[s], sg[s]).wait()

        def repack(r, carry):
            src = buf[s].at[r]
            dstr = rows[s].at[r]
            for c in range(0, EMBED_DIM - 16, 16):
                dstr[pl.ds(c, 16)] = src[pl.ds(c, 16)]
            dstr[pl.ds(EMBED_DIM - 16, 16)] = src[pl.ds(EMBED_DIM - 16, 16)]
            return carry

        lax.fori_loop(0, CH, repack, 0)
        bb = wsample + j // CPS
        t0 = (j % CPS) * CH
        pltpu.async_copy(rows[s], out_hbm.at[bb, pl.ds(t0, CH)], sw[s]).wait()

    start(0, 0)

    def body(t, carry):
        start(1, 2 * t + 1)
        finish(0, 2 * t)
        start(0, 2 * t + 2)
        finish(1, 2 * t + 1)
        return carry

    lax.fori_loop(0, HALF - 1, body, 0)

    t_last = HALF - 1
    start(1, 2 * t_last + 1)
    finish(0, 2 * t_last)
    finish(1, 2 * t_last + 1)


def kernel(indices, table):
    flat = indices.reshape(-1).astype(jnp.int32).reshape(TOTAL // CH, CH)
    table_p = jnp.pad(table, ((0, 0), (0, DP - EMBED_DIM)))
    return _embedding_gather(flat, table_p)

# --- scband reference (transcript-rebuilt; emitter-appended) ---
"""Pipeline reference for scband-wic-meta-30142080484034 (READ-ONLY COPY).

The authoritative reference and input builder live on the scoring server;
editing this copy changes nothing except your own understanding.
"""

import jax, jax.numpy as jnp
import numpy as np

VOCAB = 26809
EMBED_DIM = 300
BATCH = 4096
SEQ = 200

def setup_inputs(seed: int = 0) -> dict:
    key = jax.random.key(seed)
    k_idx, k_tab = jax.random.split(key)
    indices = jax.random.randint(k_idx, (BATCH, SEQ), 0, VOCAB, dtype=jnp.int64 if jax.config.jax_enable_x64 else jnp.int32)
    table = jax.random.normal(k_tab, (VOCAB, EMBED_DIM), dtype=jnp.float32)
    return {"indices": indices, "table": table}

def reference(indices, table):
    # Faithful translation of nn.Embedding lookup: out[b, t, :] = table[indices[b, t], :]
    return jnp.take(table, indices, axis=0)

if __name__ == "__main__":
    import jax
    _d = setup_inputs()
    print(jax.jit(kernel)(*tuple(_d.values())))

</pallas_src>

<mosaic_0001>
#map = affine_map<(d0, d1) -> (0, 0)>
#map1 = affine_map<(d0, d1) -> (0, 0, 0)>
module attributes {stable_mosaic.version = 14 : i64} {
  func.func @_embedding_gather(%arg0: i32, %arg1: i32, %arg2: memref<16384x50xi32, #tpu.memory_space<hbm>>, %arg3: memref<26809x304xf32, #tpu.memory_space<hbm>>, %arg4: memref<4096x200x300xf32, #tpu.memory_space<hbm>>, %arg5: memref<512x50xi32, #tpu.memory_space<vmem>>, %arg6: memref<50x304xf32, #tpu.memory_space<vmem>>, %arg7: memref<50x304xf32, #tpu.memory_space<vmem>>, %arg8: memref<50x300xf32, #tpu.memory_space<vmem>>, %arg9: memref<50x300xf32, #tpu.memory_space<vmem>>, %arg10: memref<!tpu.dma_semaphore, #tpu.memory_space<semaphore_mem>>, %arg11: memref<!tpu.dma_semaphore, #tpu.memory_space<semaphore_mem>>, %arg12: memref<!tpu.dma_semaphore, #tpu.memory_space<semaphore_mem>>, %arg13: memref<!tpu.dma_semaphore, #tpu.memory_space<semaphore_mem>>) attributes {dimension_semantics = [#tpu.dimension_semantics<core_parallel>, #tpu.dimension_semantics<subcore_parallel>], iteration_bounds = array<i64: 2, 16>, scalar_prefetch = 0 : i64, scratch_operands = 9 : i64, tpu.core_type = #tpu.core_type<sc_vector_subcore>, window_params = [{transform_indices = #map}, {transform_indices = #map}, {transform_indices = #map1}]} {
    %mul3A = arith.constant 2 : i32
    %mul3A_0 = arith.muli %arg1, %mul3A : i32
    %add3A = arith.addi %mul3A_0, %arg0 : i32
    %mul3A_1 = arith.constant 512 : i32
    %mul3A_2 = arith.muli %add3A, %mul3A_1 : i32
    %mul3A_3 = arith.constant 128 : i32
    %mul3A_4 = arith.muli %add3A, %mul3A_3 : i32
    "tpu.region"() ({
      %run_scoped3A = tpu.sem_alloc : memref<!tpu.dma_semaphore, #tpu.memory_space<semaphore_mem>>
      %dma_start3A_84 = arith.constant 0 : i32
      %dma_start3A_85 = tpu.memref_slice %arg2[%mul3A_2, %dma_start3A_84] : memref<16384x50xi32, #tpu.memory_space<hbm>> -> memref<512x50xi32, #tpu.memory_space<hbm>>
      %dma_start3A_86 = arith.constant 0 : i32
      %dma_start3A_87 = tpu.memref_slice %arg2[%mul3A_2, %dma_start3A_86] : memref<16384x50xi32, #tpu.memory_space<hbm>> -> memref<512x50xi32, #tpu.memory_space<hbm>>
      tpu.enqueue_dma source(%dma_start3A_87 : memref<512x50xi32, #tpu.memory_space<hbm>>) target(%arg5 : memref<512x50xi32, #tpu.memory_space<vmem>>) target_semaphore(%run_scoped3A : memref<!tpu.dma_semaphore, #tpu.memory_space<semaphore_mem>>)
      %dma_wait3A_88 = arith.constant 0 : i32
      %dma_wait3A_89 = tpu.memref_slice %arg2[%mul3A_2, %dma_wait3A_88] : memref<16384x50xi32, #tpu.memory_space<hbm>> -> memref<512x50xi32, #tpu.memory_space<hbm>>
      %dma_wait3A_90 = arith.constant 0 : i32
      %dma_wait3A_91 = tpu.memref_slice %arg2[%mul3A_2, %dma_wait3A_90] : memref<16384x50xi32, #tpu.memory_space<hbm>> -> memref<512x50xi32, #tpu.memory_space<hbm>>
      tpu.wait_dma2 semaphore(%run_scoped3A : memref<!tpu.dma_semaphore, #tpu.memory_space<semaphore_mem>>) src(%dma_wait3A_91 : memref<512x50xi32, #tpu.memory_space<hbm>>) dst(%arg5 : memref<512x50xi32, #tpu.memory_space<vmem>>)
      tpu.yield
    }) : () -> ()
    %dma_start3A = arith.constant 0 : i32
    %dma_start3A_5 = arith.constant 0 : i32
    %dma_start3A_6 = tpu.memref_slice %arg5[%dma_start3A, %dma_start3A_5] : memref<512x50xi32, #tpu.memory_space<vmem>> -> memref<1x50xi32, #tpu.memory_space<vmem>>
    %dma_start3A_7 = tpu.memref_squeeze %dma_start3A_6 : memref<1x50xi32, #tpu.memory_space<vmem>> -> memref<50xi32, #tpu.memory_space<vmem>>
    %dma_start3A_8 = arith.constant 0 : i32
    %dma_start3A_9 = arith.constant 0 : i32
    %dma_start3A_10 = tpu.memref_slice %arg3[%dma_start3A_8, %dma_start3A_9] : memref<26809x304xf32, #tpu.memory_space<hbm>> -> memref<26809x304xf32, #tpu.memory_space<hbm>>
    tpu.enqueue_indirect_dma source(%dma_start3A_10 : memref<26809x304xf32, #tpu.memory_space<hbm>>) target(%arg6 : memref<50x304xf32, #tpu.memory_space<vmem>>) offsets(%dma_start3A_7 : memref<50xi32, #tpu.memory_space<vmem>>) semaphore(%arg10 : memref<!tpu.dma_semaphore, #tpu.memory_space<semaphore_mem>>)
    %scan3A = arith.constant 0 : i32
    %scan3A_11 = arith.constant 0 : i32
    %scan3A_12 = arith.constant 255 : i32
    %scan3A_13 = arith.addi %scan3A_11, %scan3A_12 : i32
    %scan3A_14 = arith.constant 1 : i32
    scf.for %scan3A_84 = %scan3A_11 to %scan3A_13 step %scan3A_14  : i32 {
      %mul3A_85 = arith.constant 2 : i32
      %mul3A_86 = arith.muli %mul3A_85, %scan3A_84 : i32
      %add3A_87 = arith.constant 1 : i32
      %add3A_88 = arith.addi %mul3A_86, %add3A_87 : i32
      %dma_start3A_89 = arith.constant 0 : i32
      %dma_start3A_90 = tpu.memref_slice %arg5[%add3A_88, %dma_start3A_89] : memref<512x50xi32, #tpu.memory_space<vmem>> -> memref<1x50xi32, #tpu.memory_space<vmem>>
      %dma_start3A_91 = tpu.memref_squeeze %dma_start3A_90 : memref<1x50xi32, #tpu.memory_space<vmem>> -> memref<50xi32, #tpu.memory_space<vmem>>
      %dma_start3A_92 = arith.constant 0 : i32
      %dma_start3A_93 = arith.constant 0 : i32
      %dma_start3A_94 = tpu.memref_slice %arg3[%dma_start3A_92, %dma_start3A_93] : memref<26809x304xf32, #tpu.memory_space<hbm>> -> memref<26809x304xf32, #tpu.memory_space<hbm>>
      tpu.enqueue_indirect_dma source(%dma_start3A_94 : memref<26809x304xf32, #tpu.memory_space<hbm>>) target(%arg7 : memref<50x304xf32, #tpu.memory_space<vmem>>) offsets(%dma_start3A_91 : memref<50xi32, #tpu.memory_space<vmem>>) semaphore(%arg11 : memref<!tpu.dma_semaphore, #tpu.memory_space<semaphore_mem>>)
      %mul3A_95 = arith.constant 2 : i32
      %mul3A_96 = arith.muli %mul3A_95, %scan3A_84 : i32
      %dma_wait3A_97 = arith.constant 0 : i32
      %dma_wait3A_98 = tpu.memref_slice %arg5[%mul3A_96, %dma_wait3A_97] : memref<512x50xi32, #tpu.memory_space<vmem>> -> memref<1x50xi32, #tpu.memory_space<vmem>>
      %dma_wait3A_99 = tpu.memref_squeeze %dma_wait3A_98 : memref<1x50xi32, #tpu.memory_space<vmem>> -> memref<50xi32, #tpu.memory_space<vmem>>
      %dma_wait3A_100 = arith.constant 0 : i32
      %dma_wait3A_101 = arith.constant 0 : i32
      %dma_wait3A_102 = tpu.memref_slice %arg3[%dma_wait3A_100, %dma_wait3A_101] : memref<26809x304xf32, #tpu.memory_space<hbm>> -> memref<26809x304xf32, #tpu.memory_space<hbm>>
      tpu.wait_indirect_dma semaphore(%arg10 : memref<!tpu.dma_semaphore, #tpu.memory_space<semaphore_mem>>) src(%dma_wait3A_102 : memref<26809x304xf32, #tpu.memory_space<hbm>>) dst(%arg6 : memref<50x304xf32, #tpu.memory_space<vmem>>)
      %scan3A_103 = arith.constant 0 : i32
      %scan3A_104 = arith.constant 0 : i32
      %scan3A_105 = arith.constant 50 : i32
      %scan3A_106 = arith.addi %scan3A_104, %scan3A_105 : i32
      %scan3A_107 = arith.constant 1 : i32
      scf.for %scan3A_235 = %scan3A_104 to %scan3A_106 step %scan3A_107  : i32 {
        %get3A = arith.constant 0 : i32
        %get3A_236 = tpu.memref_slice %arg6[%scan3A_235, %get3A] : memref<50x304xf32, #tpu.memory_space<vmem>> -> memref<1x304xf32, #tpu.memory_space<vmem>>
        %get3A_237 = tpu.memref_squeeze %get3A_236 : memref<1x304xf32, #tpu.memory_space<vmem>> -> memref<304xf32, #tpu.memory_space<vmem>>
        %get3A_238 = arith.constant 0 : index
        %get3A_239 = tpu.vector_load %get3A_237[%get3A_238] {strides = array<i32>} : memref<304xf32, #tpu.memory_space<vmem>>, vector<16xf32>,
        %get3A_240 = vector.shape_cast %get3A_239 : vector<16xf32> to vector<16xf32>
        %swap3A = arith.constant 0 : i32
        %swap3A_241 = tpu.memref_slice %arg8[%scan3A_235, %swap3A] : memref<50x300xf32, #tpu.memory_space<vmem>> -> memref<1x300xf32, #tpu.memory_space<vmem>>
        %swap3A_242 = tpu.memref_squeeze %swap3A_241 : memref<1x300xf32, #tpu.memory_space<vmem>> -> memref<300xf32, #tpu.memory_space<vmem>>
        %swap3A_243 = arith.constant 0 : index
        %swap3A_244 = tpu.vector_load %swap3A_242[%swap3A_243] {strides = array<i32>} : memref<300xf32, #tpu.memory_space<vmem>>, vector<16xf32>,
        %swap3A_245 = vector.shape_cast %swap3A_244 : vector<16xf32> to vector<16xf32>
        %swap3A_246 = vector.shape_cast %get3A_240 : vector<16xf32> to vector<16xf32>
        tpu.vector_store %swap3A_242[%swap3A_243], %swap3A_246 {strides = array<i32>} : memref<300xf32, #tpu.memory_space<vmem>>, vector<16xf32>,
        %get3A_247 = arith.constant 0 : i32
        %get3A_248 = tpu.memref_slice %arg6[%scan3A_235, %get3A_247] : memref<50x304xf32, #tpu.memory_space<vmem>> -> memref<1x304xf32, #tpu.memory_space<vmem>>
        %get3A_249 = tpu.memref_squeeze %get3A_248 : memref<1x304xf32, #tpu.memory_space<vmem>> -> memref<304xf32, #tpu.memory_space<vmem>>
        %get3A_250 = arith.constant 16 : index
        %get3A_251 = tpu.vector_load %get3A_249[%get3A_250] {strides = array<i32>} : memref<304xf32, #tpu.memory_space<vmem>>, vector<16xf32>,
        %get3A_252 = vector.shape_cast %get3A_251 : vector<16xf32> to vector<16xf32>
        %swap3A_253 = arith.constant 0 : i32
        %swap3A_254 = tpu.memref_slice %arg8[%scan3A_235, %swap3A_253] : memref<50x300xf32, #tpu.memory_space<vmem>> -> memref<1x300xf32, #tpu.memory_space<vmem>>
        %swap3A_255 = tpu.memref_squeeze %swap3A_254 : memref<1x300xf32, #tpu.memory_space<vmem>> -> memref<300xf32, #tpu.memory_space<vmem>>
        %swap3A_256 = arith.constant 16 : index
        %swap3A_257 = tpu.vector_load %swap3A_255[%swap3A_256] {strides = array<i32>} : memref<300xf32, #tpu.memory_space<vmem>>, vector<16xf32>,
        %swap3A_258 = vector.shape_cast %swap3A_257 : vector<16xf32> to vector<16xf32>
        %swap3A_259 = vector.shape_cast %get3A_252 : vector<16xf32> to vector<16xf32>
        tpu.vector_store %swap3A_255[%swap3A_256], %swap3A_259 {strides = array<i32>} : memref<300xf32, #tpu.memory_space<vmem>>, vector<16xf32>,
        %get3A_260 = arith.constant 0 : i32
        %get3A_261 = tpu.memref_slice %arg6[%scan3A_235, %get3A_260] : memref<50x304xf32, #tpu.memory_space<vmem>> -> memref<1x304xf32, #tpu.memory_space<vmem>>
        %get3A_262 = tpu.memref_squeeze %get3A_261 : memref<1x304xf32, #tpu.memory_space<vmem>> -> memref<304xf32, #tpu.memory_space<vmem>>
        %get3A_263 = arith.constant 32 : index
        %get3A_264 = tpu.vector_load %get3A_262[%get3A_263] {strides = array<i32>} : memref<304xf32, #tpu.memory_space<vmem>>, vector<16xf32>,
        %get3A_265 = vector.shape_cast %get3A_264 : vector<16xf32> to vector<16xf32>
        %swap3A_266 = arith.constant 0 : i32
        %swap3A_267 = tpu.memref_slice %arg8[%scan3A_235, %swap3A_266] : memref<50x300xf32, #tpu.memory_space<vmem>> -> memref<1x300xf32, #tpu.memory_space<vmem>>
        %swap3A_268 = tpu.memref_squeeze %swap3A_267 : memref<1x300xf32, #tpu.memory_space<vmem>> -> memref<300xf32, #tpu.memory_space<vmem>>
        %swap3A_269 = arith.constant 32 : index
        %swap3A_270 = tpu.vector_load %swap3A_268[%swap3A_269] {strides = array<i32>} : memref<300xf32, #tpu.memory_space<vmem>>, vector<16xf32>,
        %swap3A_271 = vector.shape_cast %swap3A_270 : vector<16xf32> to vector<16xf32>
        %swap3A_272 = vector.shape_cast %get3A_265 : vector<16xf32> to vector<16xf32>
        tpu.vector_store %swap3A_268[%swap3A_269], %swap3A_272 {strides = array<i32>} : memref<300xf32, #tpu.memory_space<vmem>>, vector<16xf32>,
        %get3A_273 = arith.constant 0 : i32
        %get3A_274 = tpu.memref_slice %arg6[%scan3A_235, %get3A_273] : memref<50x304xf32, #tpu.memory_space<vmem>> -> memref<1x304xf32, #tpu.memory_space<vmem>>
        %get3A_275 = tpu.memref_squeeze %get3A_274 : memref<1x304xf32, #tpu.memory_space<vmem>> -> memref<304xf32, #tpu.memory_space<vmem>>
        %get3A_276 = arith.constant 48 : index
        %get3A_277 = tpu.vector_load %get3A_275[%get3A_276] {strides = array<i32>} : memref<304xf32, #tpu.memory_space<vmem>>, vector<16xf32>,
        %get3A_278 = vector.shape_cast %get3A_277 : vector<16xf32> to vector<16xf32>
        %swap3A_279 = arith.constant 0 : i32
        %swap3A_280 = tpu.memref_slice %arg8[%scan3A_235, %swap3A_279] : memref<50x300xf32, #tpu.memory_space<vmem>> -> memref<1x300xf32, #tpu.memory_space<vmem>>
        %swap3A_281 = tpu.memref_squeeze %swap3A_280 : memref<1x300xf32, #tpu.memory_space<vmem>> -> memref<300xf32, #tpu.memory_space<vmem>>
        %swap3A_282 = arith.constant 48 : index
        %swap3A_283 = tpu.vector_load %swap3A_281[%swap3A_282] {strides = array<i32>} : memref<300xf32, #tpu.memory_space<vmem>>, vector<16xf32>,
        %swap3A_284 = vector.shape_cast %swap3A_283 : vector<16xf32> to vector<16xf32>
        %swap3A_285 = vector.shape_cast %get3A_278 : vector<16xf32> to vector<16xf32>
        tpu.vector_store %swap3A_281[%swap3A_282], %swap3A_285 {strides = array<i32>} : memref<300xf32, #tpu.memory_space<vmem>>, vector<16xf32>,
        %get3A_286 = arith.constant 0 : i32
        %get3A_287 = tpu.memref_slice %arg6[%scan3A_235, %get3A_286] : memref<50x304xf32, #tpu.memory_space<vmem>> -> memref<1x304xf32, #tpu.memory_space<vmem>>
        %get3A_288 = tpu.memref_squeeze %get3A_287 : memref<1x304xf32, #tpu.memory_space<vmem>> -> memref<304xf32, #tpu.memory_space<vmem>>
        %get3A_289 = arith.constant 64 : index
        %get3A_290 = tpu.vector_load %get3A_288[%get3A_289] {strides = array<i32>} : memref<304xf32, #tpu.memory_space<vmem>>, vector<16xf32>,
        %get3A_291 = vector.shape_cast %get3A_290 : vector<16xf32> to vector<16xf32>
        %swap3A_292 = arith.constant 0 : i32
        %swap3A_293 = tpu.memref_slice %arg8[%scan3A_235, %swap3A_292] : memref<50x300xf32, #tpu.memory_space<vmem>> -> memref<1x300xf32, #tpu.memory_space<vmem>>
        %swap3A_294 = tpu.memref_squeeze %swap3A_293 : memref<1x300xf32, #tpu.memory_space<vmem>> -> memref<300xf32, #tpu.memory_space<vmem>>
        %swap3A_295 = arith.constant 64 : index
        %swap3A_296 = tpu.vector_load %swap3A_294[%swap3A_295] {strides = array<i32>} : memref<300xf32, #tpu.memory_space<vmem>>, vector<16xf32>,
        %swap3A_297 = vector.shape_cast %swap3A_296 : vector<16xf32> to vector<16xf32>
        %swap3A_298 = vector.shape_cast %get3A_291 : vector<16xf32> to vector<16xf32>
        tpu.vector_store %swap3A_294[%swap3A_295], %swap3A_298 {strides = array<i32>} : memref<300xf32, #tpu.memory_space<vmem>>, vector<16xf32>,
        %get3A_299 = arith.constant 0 : i32
        %get3A_300 = tpu.memref_slice %arg6[%scan3A_235, %get3A_299] : memref<50x304xf32, #tpu.memory_space<vmem>> -> memref<1x304xf32, #tpu.memory_space<vmem>>
        %get3A_301 = tpu.memref_squeeze %get3A_300 : memref<1x304xf32, #tpu.memory_space<vmem>> -> memref<304xf32, #tpu.memory_space<vmem>>
        %get3A_302 = arith.constant 80 : index
        %get3A_303 = tpu.vector_load %get3A_301[%get3A_302] {strides = array<i32>} : memref<304xf32, #tpu.memory_space<vmem>>, vector<16xf32>,
        %get3A_304 = vector.shape_cast %get3A_303 : vector<16xf32> to vector<16xf32>
        %swap3A_305 = arith.constant 0 : i32
        %swap3A_306 = tpu.memref_slice %arg8[%scan3A_235, %swap3A_305] : memref<50x300xf32, #tpu.memory_space<vmem>> -> memref<1x300xf32, #tpu.memory_space<vmem>>
        %swap3A_307 = tpu.memref_squeeze %swap3A_306 : memref<1x300xf32, #tpu.memory_space<vmem>> -> memref<300xf32, #tpu.memory_space<vmem>>
        %swap3A_308 = arith.constant 80 : index
        %swap3A_309 = tpu.vector_load %swap3A_307[%swap3A_308] {strides = array<i32>} : memref<300xf32, #tpu.memory_space<vmem>>, vector<16xf32>,
        %swap3A_310 = vector.shape_cast %swap3A_309 : vector<16xf32> to vector<16xf32>
        %swap3A_311 = vector.shape_cast %get3A_304 : vector<16xf32> to vector<16xf32>
        tpu.vector_store %swap3A_307[%swap3A_308], %swap3A_311 {strides = array<i32>} : memref<300xf32, #tpu.memory_space<vmem>>, vector<16xf32>,
        %get3A_312 = arith.constant 0 : i32
        %get3A_313 = tpu.memref_slice %arg6[%scan3A_235, %get3A_312] : memref<50x304xf32, #tpu.memory_space<vmem>> -> memref<1x304xf32, #tpu.memory_space<vmem>>
        %get3A_314 = tpu.memref_squeeze %get3A_313 : memref<1x304xf32, #tpu.memory_space<vmem>> -> memref<304xf32, #tpu.memory_space<vmem>>
        %get3A_315 = arith.constant 96 : index
        %get3A_316 = tpu.vector_load %get3A_314[%get3A_315] {strides = array<i32>} : memref<304xf32, #tpu.memory_space<vmem>>, vector<16xf32>,
        %get3A_317 = vector.shape_cast %get3A_316 : vector<16xf32> to vector<16xf32>
        %swap3A_318 = arith.constant 0 : i32
        %swap3A_319 = tpu.memref_slice %arg8[%scan3A_235, %swap3A_318] : memref<50x300xf32, #tpu.memory_space<vmem>> -> memref<1x300xf32, #tpu.memory_space<vmem>>
        %swap3A_320 = tpu.memref_squeeze %swap3A_319 : memref<1x300xf32, #tpu.memory_space<vmem>> -> memref<300xf32, #tpu.memory_space<vmem>>
        %swap3A_321 = arith.constant 96 : index
        %swap3A_322 = tpu.vector_load %swap3A_320[%swap3A_321] {strides = array<i32>} : memref<300xf32, #tpu.memory_space<vmem>>, vector<16xf32>,
        %swap3A_323 = vector.shape_cast %swap3A_322 : vector<16xf32> to vector<16xf32>
        %swap3A_324 = vector.shape_cast %get3A_317 : vector<16xf32> to vector<16xf32>
        tpu.vector_store %swap3A_320[%swap3A_321], %swap3A_324 {strides = array<i32>} : memref<300xf32, #tpu.memory_space<vmem>>, vector<16xf32>,
        %get3A_325 = arith.constant 0 : i32
        %get3A_326 = tpu.memref_slice %arg6[%scan3A_235, %get3A_325] : memref<50x304xf32, #tpu.memory_space<vmem>> -> memref<1x304xf32, #tpu.memory_space<vmem>>
        %get3A_327 = tpu.memref_squeeze %get3A_326 : memref<1x304xf32, #tpu.memory_space<vmem>> -> memref<304xf32, #tpu.memory_space<vmem>>
        %get3A_328 = arith.constant 112 : index
        %get3A_329 = tpu.vector_load %get3A_327[%get3A_328] {strides = array<i32>} : memref<304xf32, #tpu.memory_space<vmem>>, vector<16xf32>,
        %get3A_330 = vector.shape_cast %get3A_329 : vector<16xf32> to vector<16xf32>
        %swap3A_331 = arith.constant 0 : i32
        %swap3A_332 = tpu.memref_slice %arg8[%scan3A_235, %swap3A_331] : memref<50x300xf32, #tpu.memory_space<vmem>> -> memref<1x300xf32, #tpu.memory_space<vmem>>
        %swap3A_333 = tpu.memref_squeeze %swap3A_332 : memref<1x300xf32, #tpu.memory_space<vmem>> -> memref<300xf32, #tpu.memory_space<vmem>>
        %swap3A_334 = arith.constant 112 : index
        %swap3A_335 = tpu.vector_load %swap3A_333[%swap3A_334] {strides = array<i32>} : memref<300xf32, #tpu.memory_space<vmem>>, vector<16xf32>,
        %swap3A_336 = vector.shape_cast %swap3A_335 : vector<16xf32> to vector<16xf32>
        %swap3A_337 = vector.shape_cast %get3A_330 : vector<16xf32> to vector<16xf32>
        tpu.vector_store %swap3A_333[%swap3A_334], %swap3A_337 {strides = array<i32>} : memref<300xf32, #tpu.memory_space<vmem>>, vector<16xf32>,
        %get3A_338 = arith.constant 0 : i32
        %get3A_339 = tpu.memref_slice %arg6[%scan3A_235, %get3A_338] : memref<50x304xf32, #tpu.memory_space<vmem>> -> memref<1x304xf32, #tpu.memory_space<vmem>>
        %get3A_340 = tpu.memref_squeeze %get3A_339 : memref<1x304xf32, #tpu.memory_space<vmem>> -> memref<304xf32, #tpu.memory_space<vmem>>
        %get3A_341 = arith.constant 128 : index
        %get3A_342 = tpu.vector_load %get3A_340[%get3A_341] {strides = array<i32>} : memref<304xf32, #tpu.memory_space<vmem>>, vector<16xf32>,
        %get3A_343 = vector.shape_cast %get3A_342 : vector<16xf32> to vector<16xf32>
        %swap3A_344 = arith.constant 0 : i32
        %swap3A_345 = tpu.memref_slice %arg8[%scan3A_235, %swap3A_344] : memref<50x300xf32, #tpu.memory_space<vmem>> -> memref<1x300xf32, #tpu.memory_space<vmem>>
        %swap3A_346 = tpu.memref_squeeze %swap3A_345 : memref<1x300xf32, #tpu.memory_space<vmem>> -> memref<300xf32, #tpu.memory_space<vmem>>
        %swap3A_347 = arith.constant 128 : index
        %swap3A_348 = tpu.vector_load %swap3A_346[%swap3A_347] {strides = array<i32>} : memref<300xf32, #tpu.memory_space<vmem>>, vector<16xf32>,
        %swap3A_349 = vector.shape_cast %swap3A_348 : vector<16xf32> to vector<16xf32>
        %swap3A_350 = vector.shape_cast %get3A_343 : vector<16xf32> to vector<16xf32>
        tpu.vector_store %swap3A_346[%swap3A_347], %swap3A_350 {strides = array<i32>} : memref<300xf32, #tpu.memory_space<vmem>>, vector<16xf32>,
        %get3A_351 = arith.constant 0 : i32
        %get3A_352 = tpu.memref_slice %arg6[%scan3A_235, %get3A_351] : memref<50x304xf32, #tpu.memory_space<vmem>> -> memref<1x304xf32, #tpu.memory_space<vmem>>
        %get3A_353 = tpu.memref_squeeze %get3A_352 : memref<1x304xf32, #tpu.memory_space<vmem>> -> memref<304xf32, #tpu.memory_space<vmem>>
        %get3A_354 = arith.constant 144 : index
        %get3A_355 = tpu.vector_load %get3A_353[%get3A_354] {strides = array<i32>} : memref<304xf32, #tpu.memory_space<vmem>>, vector<16xf32>,
        %get3A_356 = vector.shape_cast %get3A_355 : vector<16xf32> to vector<16xf32>
        %swap3A_357 = arith.constant 0 : i32
        %swap3A_358 = tpu.memref_slice %arg8[%scan3A_235, %swap3A_357] : memref<50x300xf32, #tpu.memory_space<vmem>> -> memref<1x300xf32, #tpu.memory_space<vmem>>
        %swap3A_359 = tpu.memref_squeeze %swap3A_358 : memref<1x300xf32, #tpu.memory_space<vmem>> -> memref<300xf32, #tpu.memory_space<vmem>>
        %swap3A_360 = arith.constant 144 : index
        %swap3A_361 = tpu.vector_load %swap3A_359[%swap3A_360] {strides = array<i32>} : memref<300xf32, #tpu.memory_space<vmem>>, vector<16xf32>,
        %swap3A_362 = vector.shape_cast %swap3A_361 : vector<16xf32> to vector<16xf32>
        %swap3A_363 = vector.shape_cast %get3A_356 : vector<16xf32> to vector<16xf32>
        tpu.vector_store %swap3A_359[%swap3A_360], %swap3A_363 {strides = array<i32>} : memref<300xf32, #tpu.memory_space<vmem>>, vector<16xf32>,
        %get3A_364 = arith.constant 0 : i32
        %get3A_365 = tpu.memref_slice %arg6[%scan3A_235, %get3A_364] : memref<50x304xf32, #tpu.memory_space<vmem>> -> memref<1x304xf32, #tpu.memory_space<vmem>>
        %get3A_366 = tpu.memref_squeeze %get3A_365 : memref<1x304xf32, #tpu.memory_space<vmem>> -> memref<304xf32, #tpu.memory_space<vmem>>
        %get3A_367 = arith.constant 160 : index
        %get3A_368 = tpu.vector_load %get3A_366[%get3A_367] {strides = array<i32>} : memref<304xf32, #tpu.memory_space<vmem>>, vector<16xf32>,
        %get3A_369 = vector.shape_cast %get3A_368 : vector<16xf32> to vector<16xf32>
        %swap3A_370 = arith.constant 0 : i32
        %swap3A_371 = tpu.memref_slice %arg8[%scan3A_235, %swap3A_370] : memref<50x300xf32, #tpu.memory_space<vmem>> -> memref<1x300xf32, #tpu.memory_space<vmem>>
        %swap3A_372 = tpu.memref_squeeze %swap3A_371 : memref<1x300xf32, #tpu.memory_space<vmem>> -> memref<300xf32, #tpu.memory_space<vmem>>
        %swap3A_373 = arith.constant 160 : index
        %swap3A_374 = tpu.vector_load %swap3A_372[%swap3A_373] {strides = array<i32>} : memref<300xf32, #tpu.memory_space<vmem>>, vector<16xf32>,
        %swap3A_375 = vector.shape_cast %swap3A_374 : vector<16xf32> to vector<16xf32>
        %swap3A_376 = vector.shape_cast %get3A_369 : vector<16xf32> to vector<16xf32>
        tpu.vector_store %swap3A_372[%swap3A_373], %swap3A_376 {strides = array<i32>} : memref<300xf32, #tpu.memory_space<vmem>>, vector<16xf32>,
        %get3A_377 = arith.constant 0 : i32
        %get3A_378 = tpu.memref_slice %arg6[%scan3A_235, %get3A_377] : memref<50x304xf32, #tpu.memory_space<vmem>> -> memref<1x304xf32, #tpu.memory_space<vmem>>
        %get3A_379 = tpu.memref_squeeze %get3A_378 : memref<1x304xf32, #tpu.memory_space<vmem>> -> memref<304xf32, #tpu.memory_space<vmem>>
        %get3A_380 = arith.constant 176 : index
        %get3A_381 = tpu.vector_load %get3A_379[%get3A_380] {strides = array<i32>} : memref<304xf32, #tpu.memory_space<vmem>>, vector<16xf32>,
        %get3A_382 = vector.shape_cast %get3A_381 : vector<16xf32> to vector<16xf32>
        %swap3A_383 = arith.constant 0 : i32
        %swap3A_384 = tpu.memref_slice %arg8[%scan3A_235, %swap3A_383] : memref<50x300xf32, #tpu.memory_space<vmem>> -> memref<1x300xf32, #tpu.memory_space<vmem>>
        %swap3A_385 = tpu.memref_squeeze %swap3A_384 : memref<1x300xf32, #tpu.memory_space<vmem>> -> memref<300xf32, #tpu.memory_space<vmem>>
        %swap3A_386 = arith.constant 176 : index
        %swap3A_387 = tpu.vector_load %swap3A_385[%swap3A_386] {strides = array<i32>} : memref<300xf32, #tpu.memory_space<vmem>>, vector<16xf32>,
        %swap3A_388 = vector.shape_cast %swap3A_387 : vector<16xf32> to vector<16xf32>
        %swap3A_389 = vector.shape_cast %get3A_382 : vector<16xf32> to vector<16xf32>
        tpu.vector_store %swap3A_385[%swap3A_386], %swap3A_389 {strides = array<i32>} : memref<300xf32, #tpu.memory_space<vmem>>, vector<16xf32>,
        %get3A_390 = arith.constant 0 : i32
        %get3A_391 = tpu.memref_slice %arg6[%scan3A_235, %get3A_390] : memref<50x304xf32, #tpu.memory_space<vmem>> -> memref<1x304xf32, #tpu.memory_space<vmem>>
        %get3A_392 = tpu.memref_squeeze %get3A_391 : memref<1x304xf32, #tpu.memory_space<vmem>> -> memref<304xf32, #tpu.memory_space<vmem>>
        %get3A_393 = arith.constant 192 : index
        %get3A_394 = tpu.vector_load %get3A_392[%get3A_393] {strides = array<i32>} : memref<304xf32, #tpu.memory_space<vmem>>, vector<16xf32>,
        %get3A_395 = vector.shape_cast %get3A_394 : vector<16xf32> to vector<16xf32>
        %swap3A_396 = arith.constant 0 : i32
        %swap3A_397 = tpu.memref_slice %arg8[%scan3A_235, %swap3A_396] : memref<50x300xf32, #tpu.memory_space<vmem>> -> memref<1x300xf32, #tpu.memory_space<vmem>>
        %swap3A_398 = tpu.memref_squeeze %swap3A_397 : memref<1x300xf32, #tpu.memory_space<vmem>> -> memref<300xf32, #tpu.memory_space<vmem>>
        %swap3A_399 = arith.constant 192 : index
        %swap3A_400 = tpu.vector_load %swap3A_398[%swap3A_399] {strides = array<i32>} : memref<300xf32, #tpu.memory_space<vmem>>, vector<16xf32>,
        %swap3A_401 = vector.shape_cast %swap3A_400 : vector<16xf32> to vector<16xf32>
        %swap3A_402 = vector.shape_cast %get3A_395 : vector<16xf32> to vector<16xf32>
        tpu.vector_store %swap3A_398[%swap3A_399], %swap3A_402 {strides = array<i32>} : memref<300xf32, #tpu.memory_space<vmem>>, vector<16xf32>,
        %get3A_403 = arith.constant 0 : i32
        %get3A_404 = tpu.memref_slice %arg6[%scan3A_235, %get3A_403] : memref<50x304xf32, #tpu.memory_space<vmem>> -> memref<1x304xf32, #tpu.memory_space<vmem>>
        %get3A_405 = tpu.memref_squeeze %get3A_404 : memref<1x304xf32, #tpu.memory_space<vmem>> -> memref<304xf32, #tpu.memory_space<vmem>>
        %get3A_406 = arith.constant 208 : index
        %get3A_407 = tpu.vector_load %get3A_405[%get3A_406] {strides = array<i32>} : memref<304xf32, #tpu.memory_space<vmem>>, vector<16xf32>,
        %get3A_408 = vector.shape_cast %get3A_407 : vector<16xf32> to vector<16xf32>
        %swap3A_409 = arith.constant 0 : i32
        %swap3A_410 = tpu.memref_slice %arg8[%scan3A_235, %swap3A_409] : memref<50x300xf32, #tpu.memory_space<vmem>> -> memref<1x300xf32, #tpu.memory_space<vmem>>
        %swap3A_411 = tpu.memref_squeeze %swap3A_410 : memref<1x300xf32, #tpu.memory_space<vmem>> -> memref<300xf32, #tpu.memory_space<vmem>>
        %swap3A_412 = arith.constant 208 : index
        %swap3A_413 = tpu.vector_load %swap3A_411[%swap3A_412] {strides = array<i32>} : memref<300xf32, #tpu.memory_space<vmem>>, vector<16xf32>,
        %swap3A_414 = vector.shape_cast %swap3A_413 : vector<16xf32> to vector<16xf32>
        %swap3A_415 = vector.shape_cast %get3A_408 : vector<16xf32> to vector<16xf32>
        tpu.vector_store %swap3A_411[%swap3A_412], %swap3A_415 {strides = array<i32>} : memref<300xf32, #tpu.memory_space<vmem>>, vector<16xf32>,
        %get3A_416 = arith.constant 0 : i32
        %get3A_417 = tpu.memref_slice %arg6[%scan3A_235, %get3A_416] : memref<50x304xf32, #tpu.memory_space<vmem>> -> memref<1x304xf32, #tpu.memory_space<vmem>>
        %get3A_418 = tpu.memref_squeeze %get3A_417 : memref<1x304xf32, #tpu.memory_space<vmem>> -> memref<304xf32, #tpu.memory_space<vmem>>
        %get3A_419 = arith.constant 224 : index
        %get3A_420 = tpu.vector_load %get3A_418[%get3A_419] {strides = array<i32>} : memref<304xf32, #tpu.memory_space<vmem>>, vector<16xf32>,
        %get3A_421 = vector.shape_cast %get3A_420 : vector<16xf32> to vector<16xf32>
        %swap3A_422 = arith.constant 0 : i32
        %swap3A_423 = tpu.memref_slice %arg8[%scan3A_235, %swap3A_422] : memref<50x300xf32, #tpu.memory_space<vmem>> -> memref<1x300xf32, #tpu.memory_space<vmem>>
        %swap3A_424 = tpu.memref_squeeze %swap3A_423 : memref<1x300xf32, #tpu.memory_space<vmem>> -> memref<300xf32, #tpu.memory_space<vmem>>
        %swap3A_425 = arith.constant 224 : index
        %swap3A_426 = tpu.vector_load %swap3A_424[%swap3A_425] {strides = array<i32>} : memref<300xf32, #tpu.memory_space<vmem>>, vector<16xf32>,
        %swap3A_427 = vector.shape_cast %swap3A_426 : vector<16xf32> to vector<16xf32>
        %swap3A_428 = vector.shape_cast %get3A_421 : vector<16xf32> to vector<16xf32>
        tpu.vector_store %swap3A_424[%swap3A_425], %swap3A_428 {strides = array<i32>} : memref<300xf32, #tpu.memory_space<vmem>>, vector<16xf32>,
        %get3A_429 = arith.constant 0 : i32
        %get3A_430 = tpu.memref_slice %arg6[%scan3A_235, %get3A_429] : memref<50x304xf32, #tpu.memory_space<vmem>> -> memref<1x304xf32, #tpu.memory_space<vmem>>
        %get3A_431 = tpu.memref_squeeze %get3A_430 : memref<1x304xf32, #tpu.memory_space<vmem>> -> memref<304xf32, #tpu.memory_space<vmem>>
        %get3A_432 = arith.constant 240 : index
        %get3A_433 = tpu.vector_load %get3A_431[%get3A_432] {strides = array<i32>} : memref<304xf32, #tpu.memory_space<vmem>>, vector<16xf32>,
        %get3A_434 = vector.shape_cast %get3A_433 : vector<16xf32> to vector<16xf32>
        %swap3A_435 = arith.constant 0 : i32
        %swap3A_436 = tpu.memref_slice %arg8[%scan3A_235, %swap3A_435] : memref<50x300xf32, #tpu.memory_space<vmem>> -> memref<1x300xf32, #tpu.memory_space<vmem>>
        %swap3A_437 = tpu.memref_squeeze %swap3A_436 : memref<1x300xf32, #tpu.memory_space<vmem>> -> memref<300xf32, #tpu.memory_space<vmem>>
        %swap3A_438 = arith.constant 240 : index
        %swap3A_439 = tpu.vector_load %swap3A_437[%swap3A_438] {strides = array<i32>} : memref<300xf32, #tpu.memory_space<vmem>>, vector<16xf32>,
        %swap3A_440 = vector.shape_cast %swap3A_439 : vector<16xf32> to vector<16xf32>
        %swap3A_441 = vector.shape_cast %get3A_434 : vector<16xf32> to vector<16xf32>
        tpu.vector_store %swap3A_437[%swap3A_438], %swap3A_441 {strides = array<i32>} : memref<300xf32, #tpu.memory_space<vmem>>, vector<16xf32>,
        %get3A_442 = arith.constant 0 : i32
        %get3A_443 = tpu.memref_slice %arg6[%scan3A_235, %get3A_442] : memref<50x304xf32, #tpu.memory_space<vmem>> -> memref<1x304xf32, #tpu.memory_space<vmem>>
        %get3A_444 = tpu.memref_squeeze %get3A_443 : memref<1x304xf32, #tpu.memory_space<vmem>> -> memref<304xf32, #tpu.memory_space<vmem>>
        %get3A_445 = arith.constant 256 : index
        %get3A_446 = tpu.vector_load %get3A_444[%get3A_445] {strides = array<i32>} : memref<304xf32, #tpu.memory_space<vmem>>, vector<16xf32>,
        %get3A_447 = vector.shape_cast %get3A_446 : vector<16xf32> to vector<16xf32>
        %swap3A_448 = arith.constant 0 : i32
        %swap3A_449 = tpu.memref_slice %arg8[%scan3A_235, %swap3A_448] : memref<50x300xf32, #tpu.memory_space<vmem>> -> memref<1x300xf32, #tpu.memory_space<vmem>>
        %swap3A_450 = tpu.memref_squeeze %swap3A_449 : memref<1x300xf32, #tpu.memory_space<vmem>> -> memref<300xf32, #tpu.memory_space<vmem>>
        %swap3A_451 = arith.constant 256 : index
        %swap3A_452 = tpu.vector_load %swap3A_450[%swap3A_451] {strides = array<i32>} : memref<300xf32, #tpu.memory_space<vmem>>, vector<16xf32>,
        %swap3A_453 = vector.shape_cast %swap3A_452 : vector<16xf32> to vector<16xf32>
        %swap3A_454 = vector.shape_cast %get3A_447 : vector<16xf32> to vector<16xf32>
        tpu.vector_store %swap3A_450[%swap3A_451], %swap3A_454 {strides = array<i32>} : memref<300xf32, #tpu.memory_space<vmem>>, vector<16xf32>,
        %get3A_455 = arith.constant 0 : i32
        %get3A_456 = tpu.memref_slice %arg6[%scan3A_235, %get3A_455] : memref<50x304xf32, #tpu.memory_space<vmem>> -> memref<1x304xf32, #tpu.memory_space<vmem>>
        %get3A_457 = tpu.memref_squeeze %get3A_456 : memref<1x304xf32, #tpu.memory_space<vmem>> -> memref<304xf32, #tpu.memory_space<vmem>>
        %get3A_458 = arith.constant 272 : index
        %get3A_459 = tpu.vector_load %get3A_457[%get3A_458] {strides = array<i32>} : memref<304xf32, #tpu.memory_space<vmem>>, vector<16xf32>,
        %get3A_460 = vector.shape_cast %get3A_459 : vector<16xf32> to vector<16xf32>
        %swap3A_461 = arith.constant 0 : i32
        %swap3A_462 = tpu.memref_slice %arg8[%scan3A_235, %swap3A_461] : memref<50x300xf32, #tpu.memory_space<vmem>> -> memref<1x300xf32, #tpu.memory_space<vmem>>
        %swap3A_463 = tpu.memref_squeeze %swap3A_462 : memref<1x300xf32, #tpu.memory_space<vmem>> -> memref<300xf32, #tpu.memory_space<vmem>>
        %swap3A_464 = arith.constant 272 : index
        %swap3A_465 = tpu.vector_load %swap3A_463[%swap3A_464] {strides = array<i32>} : memref<300xf32, #tpu.memory_space<vmem>>, vector<16xf32>,
        %swap3A_466 = vector.shape_cast %swap3A_465 : vector<16xf32> to vector<16xf32>
        %swap3A_467 = vector.shape_cast %get3A_460 : vector<16xf32> to vector<16xf32>
        tpu.vector_store %swap3A_463[%swap3A_464], %swap3A_467 {strides = array<i32>} : memref<300xf32, #tpu.memory_space<vmem>>, vector<16xf32>,
        %get3A_468 = arith.constant 0 : i32
        %get3A_469 = tpu.memref_slice %arg6[%scan3A_235, %get3A_468] : memref<50x304xf32, #tpu.memory_space<vmem>> -> memref<1x304xf32, #tpu.memory_space<vmem>>
        %get3A_470 = tpu.memref_squeeze %get3A_469 : memref<1x304xf32, #tpu.memory_space<vmem>> -> memref<304xf32, #tpu.memory_space<vmem>>
        %get3A_471 = arith.constant 284 : index
        %get3A_472 = tpu.vector_load %get3A_470[%get3A_471] {strides = array<i32>} : memref<304xf32, #tpu.memory_space<vmem>>, vector<16xf32>,
        %get3A_473 = vector.shape_cast %get3A_472 : vector<16xf32> to vector<16xf32>
        %swap3A_474 = arith.constant 0 : i32
        %swap3A_475 = tpu.memref_slice %arg8[%scan3A_235, %swap3A_474] : memref<50x300xf32, #tpu.memory_space<vmem>> -> memref<1x300xf32, #tpu.memory_space<vmem>>
        %swap3A_476 = tpu.memref_squeeze %swap3A_475 : memref<1x300xf32, #tpu.memory_space<vmem>> -> memref<300xf32, #tpu.memory_space<vmem>>
        %swap3A_477 = arith.constant 284 : index
        %swap3A_478 = tpu.vector_load %swap3A_476[%swap3A_477] {strides = array<i32>} : memref<300xf32, #tpu.memory_space<vmem>>, vector<16xf32>,
        %swap3A_479 = vector.shape_cast %swap3A_478 : vector<16xf32> to vector<16xf32>
        %swap3A_480 = vector.shape_cast %get3A_473 : vector<16xf32> to vector<16xf32>
        tpu.vector_store %swap3A_476[%swap3A_477], %swap3A_480 {strides = array<i32>} : memref<300xf32, #tpu.memory_space<vmem>>, vector<16xf32>,
      }
      %scan3A_108 = arith.constant 50 : i32
      %jit3A = arith.constant 4 : i32
      %div3A = arith.divsi %mul3A_96, %jit3A : i32
      %sign3A = arith.constant 0 : i32
      %sign3A_109 = arith.cmpi sgt, %mul3A_96, %sign3A : i32
      %sign3A_110 = arith.extui %sign3A_109 : i1 to i32
      %sign3A_111 = arith.constant 0 : i32
      %sign3A_112 = arith.cmpi slt, %mul3A_96, %sign3A_111 : i32
      %sign3A_113 = arith.extui %sign3A_112 : i1 to i32
      %sign3A_114 = arith.subi %sign3A_110, %sign3A_113 : i32
      %sign3A_115 = arith.constant 0 : i32
      %sign3A_116 = arith.cmpi sgt, %jit3A, %sign3A_115 : i32
      %sign3A_117 = arith.extui %sign3A_116 : i1 to i32
      %sign3A_118 = arith.constant 0 : i32
      %sign3A_119 = arith.cmpi slt, %jit3A, %sign3A_118 : i32
      %sign3A_120 = arith.extui %sign3A_119 : i1 to i32
      %sign3A_121 = arith.subi %sign3A_117, %sign3A_120 : i32
      %ne3A = arith.cmpi ne, %sign3A_114, %sign3A_121 : i32
      %rem3A = arith.remsi %mul3A_96, %jit3A : i32
      %ne3A_122 = arith.constant 0 : i32
      %ne3A_123 = arith.cmpi ne, %rem3A, %ne3A_122 : i32
      %and3A = arith.andi %ne3A, %ne3A_123 : i1
      %sub3A = arith.constant 1 : i32
      %sub3A_124 = arith.subi %div3A, %sub3A : i32
      %select_n3A = arith.select %and3A, %sub3A_124, %div3A : i32
      %add3A_125 = arith.addi %mul3A_4, %select_n3A : i32
      %jit3A_126 = arith.constant 4 : i32
      %eq3A = arith.constant 0 : i32
      %eq3A_127 = arith.cmpi eq, %jit3A_126, %eq3A : i32
      %jit3A_128 = arith.constant 1 : i32
      %select_n3A_129 = arith.select %eq3A_127, %jit3A_128, %jit3A_126 : i32
      %rem3A_130 = arith.remsi %mul3A_96, %select_n3A_129 : i32
      %ne3A_131 = arith.constant 0 : i32
      %ne3A_132 = arith.cmpi ne, %rem3A_130, %ne3A_131 : i32
      %lt3A = arith.constant 0 : i32
      %lt3A_133 = arith.cmpi slt, %rem3A_130, %lt3A : i32
      %lt3A_134 = arith.constant 0 : i32
      %lt3A_135 = arith.cmpi slt, %select_n3A_129, %lt3A_134 : i32
      %ne3A_136 = arith.xori %lt3A_133, %lt3A_135 : i1
      %and3A_137 = arith.andi %ne3A_136, %ne3A_132 : i1
      %add3A_138 = arith.addi %rem3A_130, %select_n3A_129 : i32
      %select_n3A_139 = arith.select %and3A_137, %add3A_138, %rem3A_130 : i32
      %mul3A_140 = arith.constant 50 : i32
      %mul3A_141 = arith.muli %select_n3A_139, %mul3A_140 : i32
      %dma_start3A_142 = arith.constant 0 : i32
      %dma_start3A_143 = tpu.memref_slice %arg4[%add3A_125, %mul3A_141, %dma_start3A_142] : memref<4096x200x300xf32, #tpu.memory_space<hbm>> -> memref<1x50x300xf32, #tpu.memory_space<hbm>>
      %dma_start3A_144 = tpu.memref_squeeze %dma_start3A_143 : memref<1x50x300xf32, #tpu.memory_space<hbm>> -> memref<50x300xf32, #tpu.memory_space<hbm>>
      %dma_start3A_145 = arith.constant 0 : i32
      %dma_start3A_146 = tpu.memref_slice %arg4[%add3A_125, %mul3A_141, %dma_start3A_145] : memref<4096x200x300xf32, #tpu.memory_space<hbm>> -> memref<1x50x300xf32, #tpu.memory_space<hbm>>
      %dma_start3A_147 = tpu.memref_squeeze %dma_start3A_146 : memref<1x50x300xf32, #tpu.memory_space<hbm>> -> memref<50x300xf32, #tpu.memory_space<hbm>>
      tpu.enqueue_dma source(%arg8 : memref<50x300xf32, #tpu.memory_space<vmem>>) target(%dma_start3A_147 : memref<50x300xf32, #tpu.memory_space<hbm>>) target_semaphore(%arg12 : memref<!tpu.dma_semaphore, #tpu.memory_space<semaphore_mem>>)
      %dma_wait3A_148 = arith.constant 0 : i32
      %dma_wait3A_149 = tpu.memref_slice %arg4[%add3A_125, %mul3A_141, %dma_wait3A_148] : memref<4096x200x300xf32, #tpu.memory_space<hbm>> -> memref<1x50x300xf32, #tpu.memory_space<hbm>>
      %dma_wait3A_150 = tpu.memref_squeeze %dma_wait3A_149 : memref<1x50x300xf32, #tpu.memory_space<hbm>> -> memref<50x300xf32, #tpu.memory_space<hbm>>
      %dma_wait3A_151 = arith.constant 0 : i32
      %dma_wait3A_152 = tpu.memref_slice %arg4[%add3A_125, %mul3A_141, %dma_wait3A_151] : memref<4096x200x300xf32, #tpu.memory_space<hbm>> -> memref<1x50x300xf32, #tpu.memory_space<hbm>>
      %dma_wait3A_153 = tpu.memref_squeeze %dma_wait3A_152 : memref<1x50x300xf32, #tpu.memory_space<hbm>> -> memref<50x300xf32, #tpu.memory_space<hbm>>
      tpu.wait_dma2 semaphore(%arg12 : memref<!tpu.dma_semaphore, #tpu.memory_space<semaphore_mem>>) src(%arg8 : memref<50x300xf32, #tpu.memory_space<vmem>>) dst(%dma_wait3A_153 : memref<50x300xf32, #tpu.memory_space<hbm>>)
      %mul3A_154 = arith.constant 2 : i32
      %mul3A_155 = arith.muli %mul3A_154, %scan3A_84 : i32
      %add3A_156 = arith.constant 2 : i32
      %add3A_157 = arith.addi %mul3A_155, %add3A_156 : i32
      %dma_start3A_158 = arith.constant 0 : i32
      %dma_start3A_159 = tpu.memref_slice %arg5[%add3A_157, %dma_start3A_158] : memref<512x50xi32, #tpu.memory_space<vmem>> -> memref<1x50xi32, #tpu.memory_space<vmem>>
      %dma_start3A_160 = tpu.memref_squeeze %dma_start3A_159 : memref<1x50xi32, #tpu.memory_space<vmem>> -> memref<50xi32, #tpu.memory_space<vmem>>
      %dma_start3A_161 = arith.constant 0 : i32
      %dma_start3A_162 = arith.constant 0 : i32
      %dma_start3A_163 = tpu.memref_slice %arg3[%dma_start3A_161, %dma_start3A_162] : memref<26809x304xf32, #tpu.memory_space<hbm>> -> memref<26809x304xf32, #tpu.memory_space<hbm>>
      tpu.enqueue_indirect_dma source(%dma_start3A_163 : memref<26809x304xf32, #tpu.memory_space<hbm>>) target(%arg6 : memref<50x304xf32, #tpu.memory_space<vmem>>) offsets(%dma_start3A_160 : memref<50xi32, #tpu.memory_space<vmem>>) semaphore(%arg10 : memref<!tpu.dma_semaphore, #tpu.memory_space<semaphore_mem>>)
      %mul3A_164 = arith.constant 2 : i32
      %mul3A_165 = arith.muli %mul3A_164, %scan3A_84 : i32
      %add3A_166 = arith.constant 1 : i32
      %add3A_167 = arith.addi %mul3A_165, %add3A_166 : i32
      %dma_wait3A_168 = arith.constant 0 : i32
      %dma_wait3A_169 = tpu.memref_slice %arg5[%add3A_167, %dma_wait3A_168] : memref<512x50xi32, #tpu.memory_space<vmem>> -> memref<1x50xi32, #tpu.memory_space<vmem>>
      %dma_wait3A_170 = tpu.memref_squeeze %dma_wait3A_169 : memref<1x50xi32, #tpu.memory_space<vmem>> -> memref<50xi32, #tpu.memory_space<vmem>>
      %dma_wait3A_171 = arith.constant 0 : i32
      %dma_wait3A_172 = arith.constant 0 : i32
      %dma_wait3A_173 = tpu.memref_slice %arg3[%dma_wait3A_171, %dma_wait3A_172] : memref<26809x304xf32, #tpu.memory_space<hbm>> -> memref<26809x304xf32, #tpu.memory_space<hbm>>
      tpu.wait_indirect_dma semaphore(%arg11 : memref<!tpu.dma_semaphore, #tpu.memory_space<semaphore_mem>>) src(%dma_wait3A_173 : memref<26809x304xf32, #tpu.memory_space<hbm>>) dst(%arg7 : memref<50x304xf32, #tpu.memory_space<vmem>>)
      %scan3A_174 = arith.constant 0 : i32
      %scan3A_175 = arith.constant 0 : i32
      %scan3A_176 = arith.constant 50 : i32
      %scan3A_177 = arith.addi %scan3A_175, %scan3A_176 : i32
      %scan3A_178 = arith.constant 1 : i32
      scf.for %scan3A_235 = %scan3A_175 to %scan3A_177 step %scan3A_178  : i32 {
        %get3A = arith.constant 0 : i32
        %get3A_236 = tpu.memref_slice %arg7[%scan3A_235, %get3A] : memref<50x304xf32, #tpu.memory_space<vmem>> -> memref<1x304xf32, #tpu.memory_space<vmem>>
        %get3A_237 = tpu.memref_squeeze %get3A_236 : memref<1x304xf32, #tpu.memory_space<vmem>> -> memref<304xf32, #tpu.memory_space<vmem>>
        %get3A_238 = arith.constant 0 : index
        %get3A_239 = tpu.vector_load %get3A_237[%get3A_238] {strides = array<i32>} : memref<304xf32, #tpu.memory_space<vmem>>, vector<16xf32>,
        %get3A_240 = vector.shape_cast %get3A_239 : vector<16xf32> to vector<16xf32>
        %swap3A = arith.constant 0 : i32
        %swap3A_241 = tpu.memref_slice %arg9[%scan3A_235, %swap3A] : memref<50x300xf32, #tpu.memory_space<vmem>> -> memref<1x300xf32, #tpu.memory_space<vmem>>
        %swap3A_242 = tpu.memref_squeeze %swap3A_241 : memref<1x300xf32, #tpu.memory_space<vmem>> -> memref<300xf32, #tpu.memory_space<vmem>>
        %swap3A_243 = arith.constant 0 : index
        %swap3A_244 = tpu.vector_load %swap3A_242[%swap3A_243] {strides = array<i32>} : memref<300xf32, #tpu.memory_space<vmem>>, vector<16xf32>,
        %swap3A_245 = vector.shape_cast %swap3A_244 : vector<16xf32> to vector<16xf32>
        %swap3A_246 = vector.shape_cast %get3A_240 : vector<16xf32> to vector<16xf32>
        tpu.vector_store %swap3A_242[%swap3A_243], %swap3A_246 {strides = array<i32>} : memref<300xf32, #tpu.memory_space<vmem>>, vector<16xf32>,
        %get3A_247 = arith.constant 0 : i32
        %get3A_248 = tpu.memref_slice %arg7[%scan3A_235, %get3A_247] : memref<50x304xf32, #tpu.memory_space<vmem>> -> memref<1x304xf32, #tpu.memory_space<vmem>>
        %get3A_249 = tpu.memref_squeeze %get3A_248 : memref<1x304xf32, #tpu.memory_space<vmem>> -> memref<304xf32, #tpu.memory_space<vmem>>
        %get3A_250 = arith.constant 16 : index
        %get3A_251 = tpu.vector_load %get3A_249[%get3A_250] {strides = array<i32>} : memref<304xf32, #tpu.memory_space<vmem>>, vector<16xf32>,
        %get3A_252 = vector.shape_cast %get3A_251 : vector<16xf32> to vector<16xf32>
        %swap3A_253 = arith.constant 0 : i32
        %swap3A_254 = tpu.memref_slice %arg9[%scan3A_235, %swap3A_253] : memref<50x300xf32, #tpu.memory_space<vmem>> -> memref<1x300xf32, #tpu.memory_space<vmem>>
        %swap3A_255 = tpu.memref_squeeze %swap3A_254 : memref<1x300xf32, #tpu.memory_space<vmem>> -> memref<300xf32, #tpu.memory_space<vmem>>
        %swap3A_256 = arith.constant 16 : index
        %swap3A_257 = tpu.vector_load %swap3A_255[%swap3A_256] {strides = array<i32>} : memref<300xf32, #tpu.memory_space<vmem>>, vector<16xf32>,
        %swap3A_258 = vector.shape_cast %swap3A_257 : vector<16xf32> to vector<16xf32>
        %swap3A_259 = vector.shape_cast %get3A_252 : vector<16xf32> to vector<16xf32>
        tpu.vector_store %swap3A_255[%swap3A_256], %swap3A_259 {strides = array<i32>} : memref<300xf32, #tpu.memory_space<vmem>>, vector<16xf32>,
        %get3A_260 = arith.constant 0 : i32
        %get3A_261 = tpu.memref_slice %arg7[%scan3A_235, %get3A_260] : memref<50x304xf32, #tpu.memory_space<vmem>> -> memref<1x304xf32, #tpu.memory_space<vmem>>
        %get3A_262 = tpu.memref_squeeze %get3A_261 : memref<1x304xf32, #tpu.memory_space<vmem>> -> memref<304xf32, #tpu.memory_space<vmem>>
        %get3A_263 = arith.constant 32 : index
        %get3A_264 = tpu.vector_load %get3A_262[%get3A_263] {strides = array<i32>} : memref<304xf32, #tpu.memory_space<vmem>>, vector<16xf32>,
        %get3A_265 = vector.shape_cast %get3A_264 : vector<16xf32> to vector<16xf32>
        %swap3A_266 = arith.constant 0 : i32
        %swap3A_267 = tpu.memref_slice %arg9[%scan3A_235, %swap3A_266] : memref<50x300xf32, #tpu.memory_space<vmem>> -> memref<1x300xf32, #tpu.memory_space<vmem>>
        %swap3A_268 = tpu.memref_squeeze %swap3A_267 : memref<1x300xf32, #tpu.memory_space<vmem>> -> memref<300xf32, #tpu.memory_space<vmem>>
        %swap3A_269 = arith.constant 32 : index
        %swap3A_270 = tpu.vector_load %swap3A_268[%swap3A_269] {strides = array<i32>} : memref<300xf32, #tpu.memory_space<vmem>>, vector<16xf32>,
        %swap3A_271 = vector.shape_cast %swap3A_270 : vector<16xf32> to vector<16xf32>
        %swap3A_272 = vector.shape_cast %get3A_265 : vector<16xf32> to vector<16xf32>
        tpu.vector_store %swap3A_268[%swap3A_269], %swap3A_272 {strides = array<i32>} : memref<300xf32, #tpu.memory_space<vmem>>, vector<16xf32>,
        %get3A_273 = arith.constant 0 : i32
        %get3A_274 = tpu.memref_slice %arg7[%scan3A_235, %get3A_273] : memref<50x304xf32, #tpu.memory_space<vmem>> -> memref<1x304xf32, #tpu.memory_space<vmem>>
        %get3A_275 = tpu.memref_squeeze %get3A_274 : memref<1x304xf32, #tpu.memory_space<vmem>> -> memref<304xf32, #tpu.memory_space<vmem>>
        %get3A_276 = arith.constant 48 : index
        %get3A_277 = tpu.vector_load %get3A_275[%get3A_276] {strides = array<i32>} : memref<304xf32, #tpu.memory_space<vmem>>, vector<16xf32>,
        %get3A_278 = vector.shape_cast %get3A_277 : vector<16xf32> to vector<16xf32>
        %swap3A_279 = arith.constant 0 : i32
        %swap3A_280 = tpu.memref_slice %arg9[%scan3A_235, %swap3A_279] : memref<50x300xf32, #tpu.memory_space<vmem>> -> memref<1x300xf32, #tpu.memory_space<vmem>>
        %swap3A_281 = tpu.memref_squeeze %swap3A_280 : memref<1x300xf32, #tpu.memory_space<vmem>> -> memref<300xf32, #tpu.memory_space<vmem>>
        %swap3A_282 = arith.constant 48 : index
        %swap3A_283 = tpu.vector_load %swap3A_281[%swap3A_282] {strides = array<i32>} : memref<300xf32, #tpu.memory_space<vmem>>, vector<16xf32>,
        %swap3A_284 = vector.shape_cast %swap3A_283 : vector<16xf32> to vector<16xf32>
        %swap3A_285 = vector.shape_cast %get3A_278 : vector<16xf32> to vector<16xf32>
        tpu.vector_store %swap3A_281[%swap3A_282], %swap3A_285 {strides = array<i32>} : memref<300xf32, #tpu.memory_space<vmem>>, vector<16xf32>,
        %get3A_286 = arith.constant 0 : i32
        %get3A_287 = tpu.memref_slice %arg7[%scan3A_235, %get3A_286] : memref<50x304xf32, #tpu.memory_space<vmem>> -> memref<1x304xf32, #tpu.memory_space<vmem>>
        %get3A_288 = tpu.memref_squeeze %get3A_287 : memref<1x304xf32, #tpu.memory_space<vmem>> -> memref<304xf32, #tpu.memory_space<vmem>>
        %get3A_289 = arith.constant 64 : index
        %get3A_290 = tpu.vector_load %get3A_288[%get3A_289] {strides = array<i32>} : memref<304xf32, #tpu.memory_space<vmem>>, vector<16xf32>,
        %get3A_291 = vector.shape_cast %get3A_290 : vector<16xf32> to vector<16xf32>
        %swap3A_292 = arith.constant 0 : i32
        %swap3A_293 = tpu.memref_slice %arg9[%scan3A_235, %swap3A_292] : memref<50x300xf32, #tpu.memory_space<vmem>> -> memref<1x300xf32, #tpu.memory_space<vmem>>
        %swap3A_294 = tpu.memref_squeeze %swap3A_293 : memref<1x300xf32, #tpu.memory_space<vmem>> -> memref<300xf32, #tpu.memory_space<vmem>>
        %swap3A_295 = arith.constant 64 : index
        %swap3A_296 = tpu.vector_load %swap3A_294[%swap3A_295] {strides = array<i32>} : memref<300xf32, #tpu.memory_space<vmem>>, vector<16xf32>,
        %swap3A_297 = vector.shape_cast %swap3A_296 : vector<16xf32> to vector<16xf32>
        %swap3A_298 = vector.shape_cast %get3A_291 : vector<16xf32> to vector<16xf32>
        tpu.vector_store %swap3A_294[%swap3A_295], %swap3A_298 {strides = array<i32>} : memref<300xf32, #tpu.memory_space<vmem>>, vector<16xf32>,
        %get3A_299 = arith.constant 0 : i32
        %get3A_300 = tpu.memref_slice %arg7[%scan3A_235, %get3A_299] : memref<50x304xf32, #tpu.memory_space<vmem>> -> memref<1x304xf32, #tpu.memory_space<vmem>>
        %get3A_301 = tpu.memref_squeeze %get3A_300 : memref<1x304xf32, #tpu.memory_space<vmem>> -> memref<304xf32, #tpu.memory_space<vmem>>
        %get3A_302 = arith.constant 80 : index
        %get3A_303 = tpu.vector_load %get3A_301[%get3A_302] {strides = array<i32>} : memref<304xf32, #tpu.memory_space<vmem>>, vector<16xf32>,
        %get3A_304 = vector.shape_cast %get3A_303 : vector<16xf32> to vector<16xf32>
        %swap3A_305 = arith.constant 0 : i32
        %swap3A_306 = tpu.memref_slice %arg9[%scan3A_235, %swap3A_305] : memref<50x300xf32, #tpu.memory_space<vmem>> -> memref<1x300xf32, #tpu.memory_space<vmem>>
        %swap3A_307 = tpu.memref_squeeze %swap3A_306 : memref<1x300xf32, #tpu.memory_space<vmem>> -> memref<300xf32, #tpu.memory_space<vmem>>
        %swap3A_308 = arith.constant 80 : index
        %swap3A_309 = tpu.vector_load %swap3A_307[%swap3A_308] {strides = array<i32>} : memref<300xf32, #tpu.memory_space<vmem>>, vector<16xf32>,
        %swap3A_310 = vector.shape_cast %swap3A_309 : vector<16xf32> to vector<16xf32>
        %swap3A_311 = vector.shape_cast %get3A_304 : vector<16xf32> to vector<16xf32>
        tpu.vector_store %swap3A_307[%swap3A_308], %swap3A_311 {strides = array<i32>} : memref<300xf32, #tpu.memory_space<vmem>>, vector<16xf32>,
        %get3A_312 = arith.constant 0 : i32
        %get3A_313 = tpu.memref_slice %arg7[%scan3A_235, %get3A_312] : memref<50x304xf32, #tpu.memory_space<vmem>> -> memref<1x304xf32, #tpu.memory_space<vmem>>
        %get3A_314 = tpu.memref_squeeze %get3A_313 : memref<1x304xf32, #tpu.memory_space<vmem>> -> memref<304xf32, #tpu.memory_space<vmem>>
        %get3A_315 = arith.constant 96 : index
        %get3A_316 = tpu.vector_load %get3A_314[%get3A_315] {strides = array<i32>} : memref<304xf32, #tpu.memory_space<vmem>>, vector<16xf32>,
        %get3A_317 = vector.shape_cast %get3A_316 : vector<16xf32> to vector<16xf32>
        %swap3A_318 = arith.constant 0 : i32
        %swap3A_319 = tpu.memref_slice %arg9[%scan3A_235, %swap3A_318] : memref<50x300xf32, #tpu.memory_space<vmem>> -> memref<1x300xf32, #tpu.memory_space<vmem>>
        %swap3A_320 = tpu.memref_squeeze %swap3A_319 : memref<1x300xf32, #tpu.memory_space<vmem>> -> memref<300xf32, #tpu.memory_space<vmem>>
        %swap3A_321 = arith.constant 96 : index
        %swap3A_322 = tpu.vector_load %swap3A_320[%swap3A_321] {strides = array<i32>} : memref<300xf32, #tpu.memory_space<vmem>>, vector<16xf32>,
        %swap3A_323 = vector.shape_cast %swap3A_322 : vector<16xf32> to vector<16xf32>
        %swap3A_324 = vector.shape_cast %get3A_317 : vector<16xf32> to vector<16xf32>
        tpu.vector_store %swap3A_320[%swap3A_321], %swap3A_324 {strides = array<i32>} : memref<300xf32, #tpu.memory_space<vmem>>, vector<16xf32>,
        %get3A_325 = arith.constant 0 : i32
        %get3A_326 = tpu.memref_slice %arg7[%scan3A_235, %get3A_325] : memref<50x304xf32, #tpu.memory_space<vmem>> -> memref<1x304xf32, #tpu.memory_space<vmem>>
        %get3A_327 = tpu.memref_squeeze %get3A_326 : memref<1x304xf32, #tpu.memory_space<vmem>> -> memref<304xf32, #tpu.memory_space<vmem>>
        %get3A_328 = arith.constant 112 : index
        %get3A_329 = tpu.vector_load %get3A_327[%get3A_328] {strides = array<i32>} : memref<304xf32, #tpu.memory_space<vmem>>, vector<16xf32>,
        %get3A_330 = vector.shape_cast %get3A_329 : vector<16xf32> to vector<16xf32>
        %swap3A_331 = arith.constant 0 : i32
        %swap3A_332 = tpu.memref_slice %arg9[%scan3A_235, %swap3A_331] : memref<50x300xf32, #tpu.memory_space<vmem>> -> memref<1x300xf32, #tpu.memory_space<vmem>>
        %swap3A_333 = tpu.memref_squeeze %swap3A_332 : memref<1x300xf32, #tpu.memory_space<vmem>> -> memref<300xf32, #tpu.memory_space<vmem>>
        %swap3A_334 = arith.constant 112 : index
        %swap3A_335 = tpu.vector_load %swap3A_333[%swap3A_334] {strides = array<i32>} : memref<300xf32, #tpu.memory_space<vmem>>, vector<16xf32>,
        %swap3A_336 = vector.shape_cast %swap3A_335 : vector<16xf32> to vector<16xf32>
        %swap3A_337 = vector.shape_cast %get3A_330 : vector<16xf32> to vector<16xf32>
        tpu.vector_store %swap3A_333[%swap3A_334], %swap3A_337 {strides = array<i32>} : memref<300xf32, #tpu.memory_space<vmem>>, vector<16xf32>,
        %get3A_338 = arith.constant 0 : i32
        %get3A_339 = tpu.memref_slice %arg7[%scan3A_235, %get3A_338] : memref<50x304xf32, #tpu.memory_space<vmem>> -> memref<1x304xf32, #tpu.memory_space<vmem>>
        %get3A_340 = tpu.memref_squeeze %get3A_339 : memref<1x304xf32, #tpu.memory_space<vmem>> -> memref<304xf32, #tpu.memory_space<vmem>>
        %get3A_341 = arith.constant 128 : index
        %get3A_342 = tpu.vector_load %get3A_340[%get3A_341] {strides = array<i32>} : memref<304xf32, #tpu.memory_space<vmem>>, vector<16xf32>,
        %get3A_343 = vector.shape_cast %get3A_342 : vector<16xf32> to vector<16xf32>
        %swap3A_344 = arith.constant 0 : i32
        %swap3A_345 = tpu.memref_slice %arg9[%scan3A_235, %swap3A_344] : memref<50x300xf32, #tpu.memory_space<vmem>> -> memref<1x300xf32, #tpu.memory_space<vmem>>
        %swap3A_346 = tpu.memref_squeeze %swap3A_345 : memref<1x300xf32, #tpu.memory_space<vmem>> -> memref<300xf32, #tpu.memory_space<vmem>>
        %swap3A_347 = arith.constant 128 : index
        %swap3A_348 = tpu.vector_load %swap3A_346[%swap3A_347] {strides = array<i32>} : memref<300xf32, #tpu.memory_space<vmem>>, vector<16xf32>,
        %swap3A_349 = vector.shape_cast %swap3A_348 : vector<16xf32> to vector<16xf32>
        %swap3A_350 = vector.shape_cast %get3A_343 : vector<16xf32> to vector<16xf32>
        tpu.vector_store %swap3A_346[%swap3A_347], %swap3A_350 {strides = array<i32>} : memref<300xf32, #tpu.memory_space<vmem>>, vector<16xf32>,
        %get3A_351 = arith.constant 0 : i32
        %get3A_352 = tpu.memref_slice %arg7[%scan3A_235, %get3A_351] : memref<50x304xf32, #tpu.memory_space<vmem>> -> memref<1x304xf32, #tpu.memory_space<vmem>>
        %get3A_353 = tpu.memref_squeeze %get3A_352 : memref<1x304xf32, #tpu.memory_space<vmem>> -> memref<304xf32, #tpu.memory_space<vmem>>
        %get3A_354 = arith.constant 144 : index
        %get3A_355 = tpu.vector_load %get3A_353[%get3A_354] {strides = array<i32>} : memref<304xf32, #tpu.memory_space<vmem>>, vector<16xf32>,
        %get3A_356 = vector.shape_cast %get3A_355 : vector<16xf32> to vector<16xf32>
        %swap3A_357 = arith.constant 0 : i32
        %swap3A_358 = tpu.memref_slice %arg9[%scan3A_235, %swap3A_357] : memref<50x300xf32, #tpu.memory_space<vmem>> -> memref<1x300xf32, #tpu.memory_space<vmem>>
        %swap3A_359 = tpu.memref_squeeze %swap3A_358 : memref<1x300xf32, #tpu.memory_space<vmem>> -> memref<300xf32, #tpu.memory_space<vmem>>
        %swap3A_360 = arith.constant 144 : index
        %swap3A_361 = tpu.vector_load %swap3A_359[%swap3A_360] {strides = array<i32>} : memref<300xf32, #tpu.memory_space<vmem>>, vector<16xf32>,
        %swap3A_362 = vector.shape_cast %swap3A_361 : vector<16xf32> to vector<16xf32>
        %swap3A_363 = vector.shape_cast %get3A_356 : vector<16xf32> to vector<16xf32>
        tpu.vector_store %swap3A_359[%swap3A_360], %swap3A_363 {strides = array<i32>} : memref<300xf32, #tpu.memory_space<vmem>>, vector<16xf32>,
        %get3A_364 = arith.constant 0 : i32
        %get3A_365 = tpu.memref_slice %arg7[%scan3A_235, %get3A_364] : memref<50x304xf32, #tpu.memory_space<vmem>> -> memref<1x304xf32, #tpu.memory_space<vmem>>
        %get3A_366 = tpu.memref_squeeze %get3A_365 : memref<1x304xf32, #tpu.memory_space<vmem>> -> memref<304xf32, #tpu.memory_space<vmem>>
        %get3A_367 = arith.constant 160 : index
        %get3A_368 = tpu.vector_load %get3A_366[%get3A_367] {strides = array<i32>} : memref<304xf32, #tpu.memory_space<vmem>>, vector<16xf32>,
        %get3A_369 = vector.shape_cast %get3A_368 : vector<16xf32> to vector<16xf32>
        %swap3A_370 = arith.constant 0 : i32
        %swap3A_371 = tpu.memref_slice %arg9[%scan3A_235, %swap3A_370] : memref<50x300xf32, #tpu.memory_space<vmem>> -> memref<1x300xf32, #tpu.memory_space<vmem>>
        %swap3A_372 = tpu.memref_squeeze %swap3A_371 : memref<1x300xf32, #tpu.memory_space<vmem>> -> memref<300xf32, #tpu.memory_space<vmem>>
        %swap3A_373 = arith.constant 160 : index
        %swap3A_374 = tpu.vector_load %swap3A_372[%swap3A_373] {strides = array<i32>} : memref<300xf32, #tpu.memory_space<vmem>>, vector<16xf32>,
        %swap3A_375 = vector.shape_cast %swap3A_374 : vector<16xf32> to vector<16xf32>
        %swap3A_376 = vector.shape_cast %get3A_369 : vector<16xf32> to vector<16xf32>
        tpu.vector_store %swap3A_372[%swap3A_373], %swap3A_376 {strides = array<i32>} : memref<300xf32, #tpu.memory_space<vmem>>, vector<16xf32>,
        %get3A_377 = arith.constant 0 : i32
        %get3A_378 = tpu.memref_slice %arg7[%scan3A_235, %get3A_377] : memref<50x304xf32, #tpu.memory_space<vmem>> -> memref<1x304xf32, #tpu.memory_space<vmem>>
        %get3A_379 = tpu.memref_squeeze %get3A_378 : memref<1x304xf32, #tpu.memory_space<vmem>> -> memref<304xf32, #tpu.memory_space<vmem>>
        %get3A_380 = arith.constant 176 : index
        %get3A_381 = tpu.vector_load %get3A_379[%get3A_380] {strides = array<i32>} : memref<304xf32, #tpu.memory_space<vmem>>, vector<16xf32>,
        %get3A_382 = vector.shape_cast %get3A_381 : vector<16xf32> to vector<16xf32>
        %swap3A_383 = arith.constant 0 : i32
        %swap3A_384 = tpu.memref_slice %arg9[%scan3A_235, %swap3A_383] : memref<50x300xf32, #tpu.memory_space<vmem>> -> memref<1x300xf32, #tpu.memory_space<vmem>>
        %swap3A_385 = tpu.memref_squeeze %swap3A_384 : memref<1x300xf32, #tpu.memory_space<vmem>> -> memref<300xf32, #tpu.memory_space<vmem>>
        %swap3A_386 = arith.constant 176 : index
        %swap3A_387 = tpu.vector_load %swap3A_385[%swap3A_386] {strides = array<i32>} : memref<300xf32, #tpu.memory_space<vmem>>, vector<16xf32>,
        %swap3A_388 = vector.shape_cast %swap3A_387 : vector<16xf32> to vector<16xf32>
        %swap3A_389 = vector.shape_cast %get3A_382 : vector<16xf32> to vector<16xf32>
        tpu.vector_store %swap3A_385[%swap3A_386], %swap3A_389 {strides = array<i32>} : memref<300xf32, #tpu.memory_space<vmem>>, vector<16xf32>,
        %get3A_390 = arith.constant 0 : i32
        %get3A_391 = tpu.memref_slice %arg7[%scan3A_235, %get3A_390] : memref<50x304xf32, #tpu.memory_space<vmem>> -> memref<1x304xf32, #tpu.memory_space<vmem>>
        %get3A_392 = tpu.memref_squeeze %get3A_391 : memref<1x304xf32, #tpu.memory_space<vmem>> -> memref<304xf32, #tpu.memory_space<vmem>>
        %get3A_393 = arith.constant 192 : index
        %get3A_394 = tpu.vector_load %get3A_392[%get3A_393] {strides = array<i32>} : memref<304xf32, #tpu.memory_space<vmem>>, vector<16xf32>,
        %get3A_395 = vector.shape_cast %get3A_394 : vector<16xf32> to vector<16xf32>
        %swap3A_396 = arith.constant 0 : i32
        %swap3A_397 = tpu.memref_slice %arg9[%scan3A_235, %swap3A_396] : memref<50x300xf32, #tpu.memory_space<vmem>> -> memref<1x300xf32, #tpu.memory_space<vmem>>
        %swap3A_398 = tpu.memref_squeeze %swap3A_397 : memref<1x300xf32, #tpu.memory_space<vmem>> -> memref<300xf32, #tpu.memory_space<vmem>>
        %swap3A_399 = arith.constant 192 : index
        %swap3A_400 = tpu.vector_load %swap3A_398[%swap3A_399] {strides = array<i32>} : memref<300xf32, #tpu.memory_space<vmem>>, vector<16xf32>,
        %swap3A_401 = vector.shape_cast %swap3A_400 : vector<16xf32> to vector<16xf32>
        %swap3A_402 = vector.shape_cast %get3A_395 : vector<16xf32> to vector<16xf32>
        tpu.vector_store %swap3A_398[%swap3A_399], %swap3A_402 {strides = array<i32>} : memref<300xf32, #tpu.memory_space<vmem>>, vector<16xf32>,
        %get3A_403 = arith.constant 0 : i32
        %get3A_404 = tpu.memref_slice %arg7[%scan3A_235, %get3A_403] : memref<50x304xf32, #tpu.memory_space<vmem>> -> memref<1x304xf32, #tpu.memory_space<vmem>>
        %get3A_405 = tpu.memref_squeeze %get3A_404 : memref<1x304xf32, #tpu.memory_space<vmem>> -> memref<304xf32, #tpu.memory_space<vmem>>
        %get3A_406 = arith.constant 208 : index
        %get3A_407 = tpu.vector_load %get3A_405[%get3A_406] {strides = array<i32>} : memref<304xf32, #tpu.memory_space<vmem>>, vector<16xf32>,
        %get3A_408 = vector.shape_cast %get3A_407 : vector<16xf32> to vector<16xf32>
        %swap3A_409 = arith.constant 0 : i32
        %swap3A_410 = tpu.memref_slice %arg9[%scan3A_235, %swap3A_409] : memref<50x300xf32, #tpu.memory_space<vmem>> -> memref<1x300xf32, #tpu.memory_space<vmem>>
        %swap3A_411 = tpu.memref_squeeze %swap3A_410 : memref<1x300xf32, #tpu.memory_space<vmem>> -> memref<300xf32, #tpu.memory_space<vmem>>
        %swap3A_412 = arith.constant 208 : index
        %swap3A_413 = tpu.vector_load %swap3A_411[%swap3A_412] {strides = array<i32>} : memref<300xf32, #tpu.memory_space<vmem>>, vector<16xf32>,
        %swap3A_414 = vector.shape_cast %swap3A_413 : vector<16xf32> to vector<16xf32>
        %swap3A_415 = vector.shape_cast %get3A_408 : vector<16xf32> to vector<16xf32>
        tpu.vector_store %swap3A_411[%swap3A_412], %swap3A_415 {strides = array<i32>} : memref<300xf32, #tpu.memory_space<vmem>>, vector<16xf32>,
        %get3A_416 = arith.constant 0 : i32
        %get3A_417 = tpu.memref_slice %arg7[%scan3A_235, %get3A_416] : memref<50x304xf32, #tpu.memory_space<vmem>> -> memref<1x304xf32, #tpu.memory_space<vmem>>
        %get3A_418 = tpu.memref_squeeze %get3A_417 : memref<1x304xf32, #tpu.memory_space<vmem>> -> memref<304xf32, #tpu.memory_space<vmem>>
        %get3A_419 = arith.constant 224 : index
        %get3A_420 = tpu.vector_load %get3A_418[%get3A_419] {strides = array<i32>} : memref<304xf32, #tpu.memory_space<vmem>>, vector<16xf32>,
        %get3A_421 = vector.shape_cast %get3A_420 : vector<16xf32> to vector<16xf32>
        %swap3A_422 = arith.constant 0 : i32
        %swap3A_423 = tpu.memref_slice %arg9[%scan3A_235, %swap3A_422] : memref<50x300xf32, #tpu.memory_space<vmem>> -> memref<1x300xf32, #tpu.memory_space<vmem>>
        %swap3A_424 = tpu.memref_squeeze %swap3A_423 : memref<1x300xf32, #tpu.memory_space<vmem>> -> memref<300xf32, #tpu.memory_space<vmem>>
        %swap3A_425 = arith.constant 224 : index
        %swap3A_426 = tpu.vector_load %swap3A_424[%swap3A_425] {strides = array<i32>} : memref<300xf32, #tpu.memory_space<vmem>>, vector<16xf32>,
        %swap3A_427 = vector.shape_cast %swap3A_426 : vector<16xf32> to vector<16xf32>
        %swap3A_428 = vector.shape_cast %get3A_421 : vector<16xf32> to vector<16xf32>
        tpu.vector_store %swap3A_424[%swap3A_425], %swap3A_428 {strides = array<i32>} : memref<300xf32, #tpu.memory_space<vmem>>, vector<16xf32>,
        %get3A_429 = arith.constant 0 : i32
        %get3A_430 = tpu.memref_slice %arg7[%scan3A_235, %get3A_429] : memref<50x304xf32, #tpu.memory_space<vmem>> -> memref<1x304xf32, #tpu.memory_space<vmem>>
        %get3A_431 = tpu.memref_squeeze %get3A_430 : memref<1x304xf32, #tpu.memory_space<vmem>> -> memref<304xf32, #tpu.memory_space<vmem>>
        %get3A_432 = arith.constant 240 : index
        %get3A_433 = tpu.vector_load %get3A_431[%get3A_432] {strides = array<i32>} : memref<304xf32, #tpu.memory_space<vmem>>, vector<16xf32>,
        %get3A_434 = vector.shape_cast %get3A_433 : vector<16xf32> to vector<16xf32>
        %swap3A_435 = arith.constant 0 : i32
        %swap3A_436 = tpu.memref_slice %arg9[%scan3A_235, %swap3A_435] : memref<50x300xf32, #tpu.memory_space<vmem>> -> memref<1x300xf32, #tpu.memory_space<vmem>>
        %swap3A_437 = tpu.memref_squeeze %swap3A_436 : memref<1x300xf32, #tpu.memory_space<vmem>> -> memref<300xf32, #tpu.memory_space<vmem>>
        %swap3A_438 = arith.constant 240 : index
        %swap3A_439 = tpu.vector_load %swap3A_437[%swap3A_438] {strides = array<i32>} : memref<300xf32, #tpu.memory_space<vmem>>, vector<16xf32>,
        %swap3A_440 = vector.shape_cast %swap3A_439 : vector<16xf32> to vector<16xf32>
        %swap3A_441 = vector.shape_cast %get3A_434 : vector<16xf32> to vector<16xf32>
        tpu.vector_store %swap3A_437[%swap3A_438], %swap3A_441 {strides = array<i32>} : memref<300xf32, #tpu.memory_space<vmem>>, vector<16xf32>,
        %get3A_442 = arith.constant 0 : i32
        %get3A_443 = tpu.memref_slice %arg7[%scan3A_235, %get3A_442] : memref<50x304xf32, #tpu.memory_space<vmem>> -> memref<1x304xf32, #tpu.memory_space<vmem>>
        %get3A_444 = tpu.memref_squeeze %get3A_443 : memref<1x304xf32, #tpu.memory_space<vmem>> -> memref<304xf32, #tpu.memory_space<vmem>>
        %get3A_445 = arith.constant 256 : index
        %get3A_446 = tpu.vector_load %get3A_444[%get3A_445] {strides = array<i32>} : memref<304xf32, #tpu.memory_space<vmem>>, vector<16xf32>,
        %get3A_447 = vector.shape_cast %get3A_446 : vector<16xf32> to vector<16xf32>
        %swap3A_448 = arith.constant 0 : i32
        %swap3A_449 = tpu.memref_slice %arg9[%scan3A_235, %swap3A_448] : memref<50x300xf32, #tpu.memory_space<vmem>> -> memref<1x300xf32, #tpu.memory_space<vmem>>
        %swap3A_450 = tpu.memref_squeeze %swap3A_449 : memref<1x300xf32, #tpu.memory_space<vmem>> -> memref<300xf32, #tpu.memory_space<vmem>>
        %swap3A_451 = arith.constant 256 : index
        %swap3A_452 = tpu.vector_load %swap3A_450[%swap3A_451] {strides = array<i32>} : memref<300xf32, #tpu.memory_space<vmem>>, vector<16xf32>,
        %swap3A_453 = vector.shape_cast %swap3A_452 : vector<16xf32> to vector<16xf32>
        %swap3A_454 = vector.shape_cast %get3A_447 : vector<16xf32> to vector<16xf32>
        tpu.vector_store %swap3A_450[%swap3A_451], %swap3A_454 {strides = array<i32>} : memref<300xf32, #tpu.memory_space<vmem>>, vector<16xf32>,
        %get3A_455 = arith.constant 0 : i32
        %get3A_456 = tpu.memref_slice %arg7[%scan3A_235, %get3A_455] : memref<50x304xf32, #tpu.memory_space<vmem>> -> memref<1x304xf32, #tpu.memory_space<vmem>>
        %get3A_457 = tpu.memref_squeeze %get3A_456 : memref<1x304xf32, #tpu.memory_space<vmem>> -> memref<304xf32, #tpu.memory_space<vmem>>
        %get3A_458 = arith.constant 272 : index
        %get3A_459 = tpu.vector_load %get3A_457[%get3A_458] {strides = array<i32>} : memref<304xf32, #tpu.memory_space<vmem>>, vector<16xf32>,
        %get3A_460 = vector.shape_cast %get3A_459 : vector<16xf32> to vector<16xf32>
        %swap3A_461 = arith.constant 0 : i32
        %swap3A_462 = tpu.memref_slice %arg9[%scan3A_235, %swap3A_461] : memref<50x300xf32, #tpu.memory_space<vmem>> -> memref<1x300xf32, #tpu.memory_space<vmem>>
        %swap3A_463 = tpu.memref_squeeze %swap3A_462 : memref<1x300xf32, #tpu.memory_space<vmem>> -> memref<300xf32, #tpu.memory_space<vmem>>
        %swap3A_464 = arith.constant 272 : index
        %swap3A_465 = tpu.vector_load %swap3A_463[%swap3A_464] {strides = array<i32>} : memref<300xf32, #tpu.memory_space<vmem>>, vector<16xf32>,
        %swap3A_466 = vector.shape_cast %swap3A_465 : vector<16xf32> to vector<16xf32>
        %swap3A_467 = vector.shape_cast %get3A_460 : vector<16xf32> to vector<16xf32>
        tpu.vector_store %swap3A_463[%swap3A_464], %swap3A_467 {strides = array<i32>} : memref<300xf32, #tpu.memory_space<vmem>>, vector<16xf32>,
        %get3A_468 = arith.constant 0 : i32
        %get3A_469 = tpu.memref_slice %arg7[%scan3A_235, %get3A_468] : memref<50x304xf32, #tpu.memory_space<vmem>> -> memref<1x304xf32, #tpu.memory_space<vmem>>
        %get3A_470 = tpu.memref_squeeze %get3A_469 : memref<1x304xf32, #tpu.memory_space<vmem>> -> memref<304xf32, #tpu.memory_space<vmem>>
        %get3A_471 = arith.constant 284 : index
        %get3A_472 = tpu.vector_load %get3A_470[%get3A_471] {strides = array<i32>} : memref<304xf32, #tpu.memory_space<vmem>>, vector<16xf32>,
        %get3A_473 = vector.shape_cast %get3A_472 : vector<16xf32> to vector<16xf32>
        %swap3A_474 = arith.constant 0 : i32
        %swap3A_475 = tpu.memref_slice %arg9[%scan3A_235, %swap3A_474] : memref<50x300xf32, #tpu.memory_space<vmem>> -> memref<1x300xf32, #tpu.memory_space<vmem>>
        %swap3A_476 = tpu.memref_squeeze %swap3A_475 : memref<1x300xf32, #tpu.memory_space<vmem>> -> memref<300xf32, #tpu.memory_space<vmem>>
        %swap3A_477 = arith.constant 284 : index
        %swap3A_478 = tpu.vector_load %swap3A_476[%swap3A_477] {strides = array<i32>} : memref<300xf32, #tpu.memory_space<vmem>>, vector<16xf32>,
        %swap3A_479 = vector.shape_cast %swap3A_478 : vector<16xf32> to vector<16xf32>
        %swap3A_480 = vector.shape_cast %get3A_473 : vector<16xf32> to vector<16xf32>
        tpu.vector_store %swap3A_476[%swap3A_477], %swap3A_480 {strides = array<i32>} : memref<300xf32, #tpu.memory_space<vmem>>, vector<16xf32>,
      }
      %scan3A_179 = arith.constant 50 : i32
      %jit3A_180 = arith.constant 4 : i32
      %div3A_181 = arith.divsi %add3A_167, %jit3A_180 : i32
      %sign3A_182 = arith.constant 0 : i32
      %sign3A_183 = arith.cmpi sgt, %add3A_167, %sign3A_182 : i32
      %sign3A_184 = arith.extui %sign3A_183 : i1 to i32
      %sign3A_185 = arith.constant 0 : i32
      %sign3A_186 = arith.cmpi slt, %add3A_167, %sign3A_185 : i32
      %sign3A_187 = arith.extui %sign3A_186 : i1 to i32
      %sign3A_188 = arith.subi %sign3A_184, %sign3A_187 : i32
      %sign3A_189 = arith.constant 0 : i32
      %sign3A_190 = arith.cmpi sgt, %jit3A_180, %sign3A_189 : i32
      %sign3A_191 = arith.extui %sign3A_190 : i1 to i32
      %sign3A_192 = arith.constant 0 : i32
      %sign3A_193 = arith.cmpi slt, %jit3A_180, %sign3A_192 : i32
      %sign3A_194 = arith.extui %sign3A_193 : i1 to i32
      %sign3A_195 = arith.subi %sign3A_191, %sign3A_194 : i32
      %ne3A_196 = arith.cmpi ne, %sign3A_188, %sign3A_195 : i32
      %rem3A_197 = arith.remsi %add3A_167, %jit3A_180 : i32
      %ne3A_198 = arith.constant 0 : i32
      %ne3A_199 = arith.cmpi ne, %rem3A_197, %ne3A_198 : i32
      %and3A_200 = arith.andi %ne3A_196, %ne3A_199 : i1
      %sub3A_201 = arith.constant 1 : i32
      %sub3A_202 = arith.subi %div3A_181, %sub3A_201 : i32
      %select_n3A_203 = arith.select %and3A_200, %sub3A_202, %div3A_181 : i32
      %add3A_204 = arith.addi %mul3A_4, %select_n3A_203 : i32
      %jit3A_205 = arith.constant 4 : i32
      %eq3A_206 = arith.constant 0 : i32
      %eq3A_207 = arith.cmpi eq, %jit3A_205, %eq3A_206 : i32
      %jit3A_208 = arith.constant 1 : i32
      %select_n3A_209 = arith.select %eq3A_207, %jit3A_208, %jit3A_205 : i32
      %rem3A_210 = arith.remsi %add3A_167, %select_n3A_209 : i32
      %ne3A_211 = arith.constant 0 : i32
      %ne3A_212 = arith.cmpi ne, %rem3A_210, %ne3A_211 : i32
      %lt3A_213 = arith.constant 0 : i32
      %lt3A_214 = arith.cmpi slt, %rem3A_210, %lt3A_213 : i32
      %lt3A_215 = arith.constant 0 : i32
      %lt3A_216 = arith.cmpi slt, %select_n3A_209, %lt3A_215 : i32
      %ne3A_217 = arith.xori %lt3A_214, %lt3A_216 : i1
      %and3A_218 = arith.andi %ne3A_217, %ne3A_212 : i1
      %add3A_219 = arith.addi %rem3A_210, %select_n3A_209 : i32
      %select_n3A_220 = arith.select %and3A_218, %add3A_219, %rem3A_210 : i32
      %mul3A_221 = arith.constant 50 : i32
      %mul3A_222 = arith.muli %select_n3A_220, %mul3A_221 : i32
      %dma_start3A_223 = arith.constant 0 : i32
      %dma_start3A_224 = tpu.memref_slice %arg4[%add3A_204, %mul3A_222, %dma_start3A_223] : memref<4096x200x300xf32, #tpu.memory_space<hbm>> -> memref<1x50x300xf32, #tpu.memory_space<hbm>>
      %dma_start3A_225 = tpu.memref_squeeze %dma_start3A_224 : memref<1x50x300xf32, #tpu.memory_space<hbm>> -> memref<50x300xf32, #tpu.memory_space<hbm>>
      %dma_start3A_226 = arith.constant 0 : i32
      %dma_start3A_227 = tpu.memref_slice %arg4[%add3A_204, %mul3A_222, %dma_start3A_226] : memref<4096x200x300xf32, #tpu.memory_space<hbm>> -> memref<1x50x300xf32, #tpu.memory_space<hbm>>
      %dma_start3A_228 = tpu.memref_squeeze %dma_start3A_227 : memref<1x50x300xf32, #tpu.memory_space<hbm>> -> memref<50x300xf32, #tpu.memory_space<hbm>>
      tpu.enqueue_dma source(%arg9 : memref<50x300xf32, #tpu.memory_space<vmem>>) target(%dma_start3A_228 : memref<50x300xf32, #tpu.memory_space<hbm>>) target_semaphore(%arg13 : memref<!tpu.dma_semaphore, #tpu.memory_space<semaphore_mem>>)
      %dma_wait3A_229 = arith.constant 0 : i32
      %dma_wait3A_230 = tpu.memref_slice %arg4[%add3A_204, %mul3A_222, %dma_wait3A_229] : memref<4096x200x300xf32, #tpu.memory_space<hbm>> -> memref<1x50x300xf32, #tpu.memory_space<hbm>>
      %dma_wait3A_231 = tpu.memref_squeeze %dma_wait3A_230 : memref<1x50x300xf32, #tpu.memory_space<hbm>> -> memref<50x300xf32, #tpu.memory_space<hbm>>
      %dma_wait3A_232 = arith.constant 0 : i32
      %dma_wait3A_233 = tpu.memref_slice %arg4[%add3A_204, %mul3A_222, %dma_wait3A_232] : memref<4096x200x300xf32, #tpu.memory_space<hbm>> -> memref<1x50x300xf32, #tpu.memory_space<hbm>>
      %dma_wait3A_234 = tpu.memref_squeeze %dma_wait3A_233 : memref<1x50x300xf32, #tpu.memory_space<hbm>> -> memref<50x300xf32, #tpu.memory_space<hbm>>
      tpu.wait_dma2 semaphore(%arg13 : memref<!tpu.dma_semaphore, #tpu.memory_space<semaphore_mem>>) src(%arg9 : memref<50x300xf32, #tpu.memory_space<vmem>>) dst(%dma_wait3A_234 : memref<50x300xf32, #tpu.memory_space<hbm>>)
    }
    %scan3A_15 = arith.constant 255 : i32
    %dma_start3A_16 = arith.constant 511 : i32
    %dma_start3A_17 = arith.constant 0 : i32
    %dma_start3A_18 = tpu.memref_slice %arg5[%dma_start3A_16, %dma_start3A_17] : memref<512x50xi32, #tpu.memory_space<vmem>> -> memref<1x50xi32, #tpu.memory_space<vmem>>
    %dma_start3A_19 = tpu.memref_squeeze %dma_start3A_18 : memref<1x50xi32, #tpu.memory_space<vmem>> -> memref<50xi32, #tpu.memory_space<vmem>>
    %dma_start3A_20 = arith.constant 0 : i32
    %dma_start3A_21 = arith.constant 0 : i32
    %dma_start3A_22 = tpu.memref_slice %arg3[%dma_start3A_20, %dma_start3A_21] : memref<26809x304xf32, #tpu.memory_space<hbm>> -> memref<26809x304xf32, #tpu.memory_space<hbm>>
    tpu.enqueue_indirect_dma source(%dma_start3A_22 : memref<26809x304xf32, #tpu.memory_space<hbm>>) target(%arg7 : memref<50x304xf32, #tpu.memory_space<vmem>>) offsets(%dma_start3A_19 : memref<50xi32, #tpu.memory_space<vmem>>) semaphore(%arg11 : memref<!tpu.dma_semaphore, #tpu.memory_space<semaphore_mem>>)
    %dma_wait3A = arith.constant 510 : i32
    %dma_wait3A_23 = arith.constant 0 : i32
    %dma_wait3A_24 = tpu.memref_slice %arg5[%dma_wait3A, %dma_wait3A_23] : memref<512x50xi32, #tpu.memory_space<vmem>> -> memref<1x50xi32, #tpu.memory_space<vmem>>
    %dma_wait3A_25 = tpu.memref_squeeze %dma_wait3A_24 : memref<1x50xi32, #tpu.memory_space<vmem>> -> memref<50xi32, #tpu.memory_space<vmem>>
    %dma_wait3A_26 = arith.constant 0 : i32
    %dma_wait3A_27 = arith.constant 0 : i32
    %dma_wait3A_28 = tpu.memref_slice %arg3[%dma_wait3A_26, %dma_wait3A_27] : memref<26809x304xf32, #tpu.memory_space<hbm>> -> memref<26809x304xf32, #tpu.memory_space<hbm>>
    tpu.wait_indirect_dma semaphore(%arg10 : memref<!tpu.dma_semaphore, #tpu.memory_space<semaphore_mem>>) src(%dma_wait3A_28 : memref<26809x304xf32, #tpu.memory_space<hbm>>) dst(%arg6 : memref<50x304xf32, #tpu.memory_space<vmem>>)
    %scan3A_29 = arith.constant 0 : i32
    %scan3A_30 = arith.constant 0 : i32
    %scan3A_31 = arith.constant 50 : i32
    %scan3A_32 = arith.addi %scan3A_30, %scan3A_31 : i32
    %scan3A_33 = arith.constant 1 : i32
    scf.for %scan3A_84 = %scan3A_30 to %scan3A_32 step %scan3A_33  : i32 {
      %get3A = arith.constant 0 : i32
      %get3A_85 = tpu.memref_slice %arg6[%scan3A_84, %get3A] : memref<50x304xf32, #tpu.memory_space<vmem>> -> memref<1x304xf32, #tpu.memory_space<vmem>>
      %get3A_86 = tpu.memref_squeeze %get3A_85 : memref<1x304xf32, #tpu.memory_space<vmem>> -> memref<304xf32, #tpu.memory_space<vmem>>
      %get3A_87 = arith.constant 0 : index
      %get3A_88 = tpu.vector_load %get3A_86[%get3A_87] {strides = array<i32>} : memref<304xf32, #tpu.memory_space<vmem>>, vector<16xf32>,
      %get3A_89 = vector.shape_cast %get3A_88 : vector<16xf32> to vector<16xf32>
      %swap3A = arith.constant 0 : i32
      %swap3A_90 = tpu.memref_slice %arg8[%scan3A_84, %swap3A] : memref<50x300xf32, #tpu.memory_space<vmem>> -> memref<1x300xf32, #tpu.memory_space<vmem>>
      %swap3A_91 = tpu.memref_squeeze %swap3A_90 : memref<1x300xf32, #tpu.memory_space<vmem>> -> memref<300xf32, #tpu.memory_space<vmem>>
      %swap3A_92 = arith.constant 0 : index
      %swap3A_93 = tpu.vector_load %swap3A_91[%swap3A_92] {strides = array<i32>} : memref<300xf32, #tpu.memory_space<vmem>>, vector<16xf32>,
      %swap3A_94 = vector.shape_cast %swap3A_93 : vector<16xf32> to vector<16xf32>
      %swap3A_95 = vector.shape_cast %get3A_89 : vector<16xf32> to vector<16xf32>
      tpu.vector_store %swap3A_91[%swap3A_92], %swap3A_95 {strides = array<i32>} : memref<300xf32, #tpu.memory_space<vmem>>, vector<16xf32>,
      %get3A_96 = arith.constant 0 : i32
      %get3A_97 = tpu.memref_slice %arg6[%scan3A_84, %get3A_96] : memref<50x304xf32, #tpu.memory_space<vmem>> -> memref<1x304xf32, #tpu.memory_space<vmem>>
      %get3A_98 = tpu.memref_squeeze %get3A_97 : memref<1x304xf32, #tpu.memory_space<vmem>> -> memref<304xf32, #tpu.memory_space<vmem>>
      %get3A_99 = arith.constant 16 : index
      %get3A_100 = tpu.vector_load %get3A_98[%get3A_99] {strides = array<i32>} : memref<304xf32, #tpu.memory_space<vmem>>, vector<16xf32>,
      %get3A_101 = vector.shape_cast %get3A_100 : vector<16xf32> to vector<16xf32>
      %swap3A_102 = arith.constant 0 : i32
      %swap3A_103 = tpu.memref_slice %arg8[%scan3A_84, %swap3A_102] : memref<50x300xf32, #tpu.memory_space<vmem>> -> memref<1x300xf32, #tpu.memory_space<vmem>>
      %swap3A_104 = tpu.memref_squeeze %swap3A_103 : memref<1x300xf32, #tpu.memory_space<vmem>> -> memref<300xf32, #tpu.memory_space<vmem>>
      %swap3A_105 = arith.constant 16 : index
      %swap3A_106 = tpu.vector_load %swap3A_104[%swap3A_105] {strides = array<i32>} : memref<300xf32, #tpu.memory_space<vmem>>, vector<16xf32>,
      %swap3A_107 = vector.shape_cast %swap3A_106 : vector<16xf32> to vector<16xf32>
      %swap3A_108 = vector.shape_cast %get3A_101 : vector<16xf32> to vector<16xf32>
      tpu.vector_store %swap3A_104[%swap3A_105], %swap3A_108 {strides = array<i32>} : memref<300xf32, #tpu.memory_space<vmem>>, vector<16xf32>,
      %get3A_109 = arith.constant 0 : i32
      %get3A_110 = tpu.memref_slice %arg6[%scan3A_84, %get3A_109] : memref<50x304xf32, #tpu.memory_space<vmem>> -> memref<1x304xf32, #tpu.memory_space<vmem>>
      %get3A_111 = tpu.memref_squeeze %get3A_110 : memref<1x304xf32, #tpu.memory_space<vmem>> -> memref<304xf32, #tpu.memory_space<vmem>>
      %get3A_112 = arith.constant 32 : index
      %get3A_113 = tpu.vector_load %get3A_111[%get3A_112] {strides = array<i32>} : memref<304xf32, #tpu.memory_space<vmem>>, vector<16xf32>,
      %get3A_114 = vector.shape_cast %get3A_113 : vector<16xf32> to vector<16xf32>
      %swap3A_115 = arith.constant 0 : i32
      %swap3A_116 = tpu.memref_slice %arg8[%scan3A_84, %swap3A_115] : memref<50x300xf32, #tpu.memory_space<vmem>> -> memref<1x300xf32, #tpu.memory_space<vmem>>
      %swap3A_117 = tpu.memref_squeeze %swap3A_116 : memref<1x300xf32, #tpu.memory_space<vmem>> -> memref<300xf32, #tpu.memory_space<vmem>>
      %swap3A_118 = arith.constant 32 : index
      %swap3A_119 = tpu.vector_load %swap3A_117[%swap3A_118] {strides = array<i32>} : memref<300xf32, #tpu.memory_space<vmem>>, vector<16xf32>,
      %swap3A_120 = vector.shape_cast %swap3A_119 : vector<16xf32> to vector<16xf32>
      %swap3A_121 = vector.shape_cast %get3A_114 : vector<16xf32> to vector<16xf32>
      tpu.vector_store %swap3A_117[%swap3A_118], %swap3A_121 {strides = array<i32>} : memref<300xf32, #tpu.memory_space<vmem>>, vector<16xf32>,
      %get3A_122 = arith.constant 0 : i32
      %get3A_123 = tpu.memref_slice %arg6[%scan3A_84, %get3A_122] : memref<50x304xf32, #tpu.memory_space<vmem>> -> memref<1x304xf32, #tpu.memory_space<vmem>>
      %get3A_124 = tpu.memref_squeeze %get3A_123 : memref<1x304xf32, #tpu.memory_space<vmem>> -> memref<304xf32, #tpu.memory_space<vmem>>
      %get3A_125 = arith.constant 48 : index
      %get3A_126 = tpu.vector_load %get3A_124[%get3A_125] {strides = array<i32>} : memref<304xf32, #tpu.memory_space<vmem>>, vector<16xf32>,
      %get3A_127 = vector.shape_cast %get3A_126 : vector<16xf32> to vector<16xf32>
      %swap3A_128 = arith.constant 0 : i32
      %swap3A_129 = tpu.memref_slice %arg8[%scan3A_84, %swap3A_128] : memref<50x300xf32, #tpu.memory_space<vmem>> -> memref<1x300xf32, #tpu.memory_space<vmem>>
      %swap3A_130 = tpu.memref_squeeze %swap3A_129 : memref<1x300xf32, #tpu.memory_space<vmem>> -> memref<300xf32, #tpu.memory_space<vmem>>
      %swap3A_131 = arith.constant 48 : index
      %swap3A_132 = tpu.vector_load %swap3A_130[%swap3A_131] {strides = array<i32>} : memref<300xf32, #tpu.memory_space<vmem>>, vector<16xf32>,
      %swap3A_133 = vector.shape_cast %swap3A_132 : vector<16xf32> to vector<16xf32>
      %swap3A_134 = vector.shape_cast %get3A_127 : vector<16xf32> to vector<16xf32>
      tpu.vector_store %swap3A_130[%swap3A_131], %swap3A_134 {strides = array<i32>} : memref<300xf32, #tpu.memory_space<vmem>>, vector<16xf32>,
      %get3A_135 = arith.constant 0 : i32
      %get3A_136 = tpu.memref_slice %arg6[%scan3A_84, %get3A_135] : memref<50x304xf32, #tpu.memory_space<vmem>> -> memref<1x304xf32, #tpu.memory_space<vmem>>
      %get3A_137 = tpu.memref_squeeze %get3A_136 : memref<1x304xf32, #tpu.memory_space<vmem>> -> memref<304xf32, #tpu.memory_space<vmem>>
      %get3A_138 = arith.constant 64 : index
      %get3A_139 = tpu.vector_load %get3A_137[%get3A_138] {strides = array<i32>} : memref<304xf32, #tpu.memory_space<vmem>>, vector<16xf32>,
      %get3A_140 = vector.shape_cast %get3A_139 : vector<16xf32> to vector<16xf32>
      %swap3A_141 = arith.constant 0 : i32
      %swap3A_142 = tpu.memref_slice %arg8[%scan3A_84, %swap3A_141] : memref<50x300xf32, #tpu.memory_space<vmem>> -> memref<1x300xf32, #tpu.memory_space<vmem>>
      %swap3A_143 = tpu.memref_squeeze %swap3A_142 : memref<1x300xf32, #tpu.memory_space<vmem>> -> memref<300xf32, #tpu.memory_space<vmem>>
      %swap3A_144 = arith.constant 64 : index
      %swap3A_145 = tpu.vector_load %swap3A_143[%swap3A_144] {strides = array<i32>} : memref<300xf32, #tpu.memory_space<vmem>>, vector<16xf32>,
      %swap3A_146 = vector.shape_cast %swap3A_145 : vector<16xf32> to vector<16xf32>
      %swap3A_147 = vector.shape_cast %get3A_140 : vector<16xf32> to vector<16xf32>
      tpu.vector_store %swap3A_143[%swap3A_144], %swap3A_147 {strides = array<i32>} : memref<300xf32, #tpu.memory_space<vmem>>, vector<16xf32>,
      %get3A_148 = arith.constant 0 : i32
      %get3A_149 = tpu.memref_slice %arg6[%scan3A_84, %get3A_148] : memref<50x304xf32, #tpu.memory_space<vmem>> -> memref<1x304xf32, #tpu.memory_space<vmem>>
      %get3A_150 = tpu.memref_squeeze %get3A_149 : memref<1x304xf32, #tpu.memory_space<vmem>> -> memref<304xf32, #tpu.memory_space<vmem>>
      %get3A_151 = arith.constant 80 : index
      %get3A_152 = tpu.vector_load %get3A_150[%get3A_151] {strides = array<i32>} : memref<304xf32, #tpu.memory_space<vmem>>, vector<16xf32>,
      %get3A_153 = vector.shape_cast %get3A_152 : vector<16xf32> to vector<16xf32>
      %swap3A_154 = arith.constant 0 : i32
      %swap3A_155 = tpu.memref_slice %arg8[%scan3A_84, %swap3A_154] : memref<50x300xf32, #tpu.memory_space<vmem>> -> memref<1x300xf32, #tpu.memory_space<vmem>>
      %swap3A_156 = tpu.memref_squeeze %swap3A_155 : memref<1x300xf32, #tpu.memory_space<vmem>> -> memref<300xf32, #tpu.memory_space<vmem>>
      %swap3A_157 = arith.constant 80 : index
      %swap3A_158 = tpu.vector_load %swap3A_156[%swap3A_157] {strides = array<i32>} : memref<300xf32, #tpu.memory_space<vmem>>, vector<16xf32>,
      %swap3A_159 = vector.shape_cast %swap3A_158 : vector<16xf32> to vector<16xf32>
      %swap3A_160 = vector.shape_cast %get3A_153 : vector<16xf32> to vector<16xf32>
      tpu.vector_store %swap3A_156[%swap3A_157], %swap3A_160 {strides = array<i32>} : memref<300xf32, #tpu.memory_space<vmem>>, vector<16xf32>,
      %get3A_161 = arith.constant 0 : i32
      %get3A_162 = tpu.memref_slice %arg6[%scan3A_84, %get3A_161] : memref<50x304xf32, #tpu.memory_space<vmem>> -> memref<1x304xf32, #tpu.memory_space<vmem>>
      %get3A_163 = tpu.memref_squeeze %get3A_162 : memref<1x304xf32, #tpu.memory_space<vmem>> -> memref<304xf32, #tpu.memory_space<vmem>>
      %get3A_164 = arith.constant 96 : index
      %get3A_165 = tpu.vector_load %get3A_163[%get3A_164] {strides = array<i32>} : memref<304xf32, #tpu.memory_space<vmem>>, vector<16xf32>,
      %get3A_166 = vector.shape_cast %get3A_165 : vector<16xf32> to vector<16xf32>
      %swap3A_167 = arith.constant 0 : i32
      %swap3A_168 = tpu.memref_slice %arg8[%scan3A_84, %swap3A_167] : memref<50x300xf32, #tpu.memory_space<vmem>> -> memref<1x300xf32, #tpu.memory_space<vmem>>
      %swap3A_169 = tpu.memref_squeeze %swap3A_168 : memref<1x300xf32, #tpu.memory_space<vmem>> -> memref<300xf32, #tpu.memory_space<vmem>>
      %swap3A_170 = arith.constant 96 : index
      %swap3A_171 = tpu.vector_load %swap3A_169[%swap3A_170] {strides = array<i32>} : memref<300xf32, #tpu.memory_space<vmem>>, vector<16xf32>,
      %swap3A_172 = vector.shape_cast %swap3A_171 : vector<16xf32> to vector<16xf32>
      %swap3A_173 = vector.shape_cast %get3A_166 : vector<16xf32> to vector<16xf32>
      tpu.vector_store %swap3A_169[%swap3A_170], %swap3A_173 {strides = array<i32>} : memref<300xf32, #tpu.memory_space<vmem>>, vector<16xf32>,
      %get3A_174 = arith.constant 0 : i32
      %get3A_175 = tpu.memref_slice %arg6[%scan3A_84, %get3A_174] : memref<50x304xf32, #tpu.memory_space<vmem>> -> memref<1x304xf32, #tpu.memory_space<vmem>>
      %get3A_176 = tpu.memref_squeeze %get3A_175 : memref<1x304xf32, #tpu.memory_space<vmem>> -> memref<304xf32, #tpu.memory_space<vmem>>
      %get3A_177 = arith.constant 112 : index
      %get3A_178 = tpu.vector_load %get3A_176[%get3A_177] {strides = array<i32>} : memref<304xf32, #tpu.memory_space<vmem>>, vector<16xf32>,
      %get3A_179 = vector.shape_cast %get3A_178 : vector<16xf32> to vector<16xf32>
      %swap3A_180 = arith.constant 0 : i32
      %swap3A_181 = tpu.memref_slice %arg8[%scan3A_84, %swap3A_180] : memref<50x300xf32, #tpu.memory_space<vmem>> -> memref<1x300xf32, #tpu.memory_space<vmem>>
      %swap3A_182 = tpu.memref_squeeze %swap3A_181 : memref<1x300xf32, #tpu.memory_space<vmem>> -> memref<300xf32, #tpu.memory_space<vmem>>
      %swap3A_183 = arith.constant 112 : index
      %swap3A_184 = tpu.vector_load %swap3A_182[%swap3A_183] {strides = array<i32>} : memref<300xf32, #tpu.memory_space<vmem>>, vector<16xf32>,
      %swap3A_185 = vector.shape_cast %swap3A_184 : vector<16xf32> to vector<16xf32>
      %swap3A_186 = vector.shape_cast %get3A_179 : vector<16xf32> to vector<16xf32>
      tpu.vector_store %swap3A_182[%swap3A_183], %swap3A_186 {strides = array<i32>} : memref<300xf32, #tpu.memory_space<vmem>>, vector<16xf32>,
      %get3A_187 = arith.constant 0 : i32
      %get3A_188 = tpu.memref_slice %arg6[%scan3A_84, %get3A_187] : memref<50x304xf32, #tpu.memory_space<vmem>> -> memref<1x304xf32, #tpu.memory_space<vmem>>
      %get3A_189 = tpu.memref_squeeze %get3A_188 : memref<1x304xf32, #tpu.memory_space<vmem>> -> memref<304xf32, #tpu.memory_space<vmem>>
      %get3A_190 = arith.constant 128 : index
      %get3A_191 = tpu.vector_load %get3A_189[%get3A_190] {strides = array<i32>} : memref<304xf32, #tpu.memory_space<vmem>>, vector<16xf32>,
      %get3A_192 = vector.shape_cast %get3A_191 : vector<16xf32> to vector<16xf32>
      %swap3A_193 = arith.constant 0 : i32
      %swap3A_194 = tpu.memref_slice %arg8[%scan3A_84, %swap3A_193] : memref<50x300xf32, #tpu.memory_space<vmem>> -> memref<1x300xf32, #tpu.memory_space<vmem>>
      %swap3A_195 = tpu.memref_squeeze %swap3A_194 : memref<1x300xf32, #tpu.memory_space<vmem>> -> memref<300xf32, #tpu.memory_space<vmem>>
      %swap3A_196 = arith.constant 128 : index
      %swap3A_197 = tpu.vector_load %swap3A_195[%swap3A_196] {strides = array<i32>} : memref<300xf32, #tpu.memory_space<vmem>>, vector<16xf32>,
      %swap3A_198 = vector.shape_cast %swap3A_197 : vector<16xf32> to vector<16xf32>
      %swap3A_199 = vector.shape_cast %get3A_192 : vector<16xf32> to vector<16xf32>
      tpu.vector_store %swap3A_195[%swap3A_196], %swap3A_199 {strides = array<i32>} : memref<300xf32, #tpu.memory_space<vmem>>, vector<16xf32>,
      %get3A_200 = arith.constant 0 : i32
      %get3A_201 = tpu.memref_slice %arg6[%scan3A_84, %get3A_200] : memref<50x304xf32, #tpu.memory_space<vmem>> -> memref<1x304xf32, #tpu.memory_space<vmem>>
      %get3A_202 = tpu.memref_squeeze %get3A_201 : memref<1x304xf32, #tpu.memory_space<vmem>> -> memref<304xf32, #tpu.memory_space<vmem>>
      %get3A_203 = arith.constant 144 : index
      %get3A_204 = tpu.vector_load %get3A_202[%get3A_203] {strides = array<i32>} : memref<304xf32, #tpu.memory_space<vmem>>, vector<16xf32>,
      %get3A_205 = vector.shape_cast %get3A_204 : vector<16xf32> to vector<16xf32>
      %swap3A_206 = arith.constant 0 : i32
      %swap3A_207 = tpu.memref_slice %arg8[%scan3A_84, %swap3A_206] : memref<50x300xf32, #tpu.memory_space<vmem>> -> memref<1x300xf32, #tpu.memory_space<vmem>>
      %swap3A_208 = tpu.memref_squeeze %swap3A_207 : memref<1x300xf32, #tpu.memory_space<vmem>> -> memref<300xf32, #tpu.memory_space<vmem>>
      %swap3A_209 = arith.constant 144 : index
      %swap3A_210 = tpu.vector_load %swap3A_208[%swap3A_209] {strides = array<i32>} : memref<300xf32, #tpu.memory_space<vmem>>, vector<16xf32>,
      %swap3A_211 = vector.shape_cast %swap3A_210 : vector<16xf32> to vector<16xf32>
      %swap3A_212 = vector.shape_cast %get3A_205 : vector<16xf32> to vector<16xf32>
      tpu.vector_store %swap3A_208[%swap3A_209], %swap3A_212 {strides = array<i32>} : memref<300xf32, #tpu.memory_space<vmem>>, vector<16xf32>,
      %get3A_213 = arith.constant 0 : i32
      %get3A_214 = tpu.memref_slice %arg6[%scan3A_84, %get3A_213] : memref<50x304xf32, #tpu.memory_space<vmem>> -> memref<1x304xf32, #tpu.memory_space<vmem>>
      %get3A_215 = tpu.memref_squeeze %get3A_214 : memref<1x304xf32, #tpu.memory_space<vmem>> -> memref<304xf32, #tpu.memory_space<vmem>>
      %get3A_216 = arith.constant 160 : index
      %get3A_217 = tpu.vector_load %get3A_215[%get3A_216] {strides = array<i32>} : memref<304xf32, #tpu.memory_space<vmem>>, vector<16xf32>,
      %get3A_218 = vector.shape_cast %get3A_217 : vector<16xf32> to vector<16xf32>
      %swap3A_219 = arith.constant 0 : i32
      %swap3A_220 = tpu.memref_slice %arg8[%scan3A_84, %swap3A_219] : memref<50x300xf32, #tpu.memory_space<vmem>> -> memref<1x300xf32, #tpu.memory_space<vmem>>
      %swap3A_221 = tpu.memref_squeeze %swap3A_220 : memref<1x300xf32, #tpu.memory_space<vmem>> -> memref<300xf32, #tpu.memory_space<vmem>>
      %swap3A_222 = arith.constant 160 : index
      %swap3A_223 = tpu.vector_load %swap3A_221[%swap3A_222] {strides = array<i32>} : memref<300xf32, #tpu.memory_space<vmem>>, vector<16xf32>,
      %swap3A_224 = vector.shape_cast %swap3A_223 : vector<16xf32> to vector<16xf32>
      %swap3A_225 = vector.shape_cast %get3A_218 : vector<16xf32> to vector<16xf32>
      tpu.vector_store %swap3A_221[%swap3A_222], %swap3A_225 {strides = array<i32>} : memref<300xf32, #tpu.memory_space<vmem>>, vector<16xf32>,
      %get3A_226 = arith.constant 0 : i32
      %get3A_227 = tpu.memref_slice %arg6[%scan3A_84, %get3A_226] : memref<50x304xf32, #tpu.memory_space<vmem>> -> memref<1x304xf32, #tpu.memory_space<vmem>>
      %get3A_228 = tpu.memref_squeeze %get3A_227 : memref<1x304xf32, #tpu.memory_space<vmem>> -> memref<304xf32, #tpu.memory_space<vmem>>
      %get3A_229 = arith.constant 176 : index
      %get3A_230 = tpu.vector_load %get3A_228[%get3A_229] {strides = array<i32>} : memref<304xf32, #tpu.memory_space<vmem>>, vector<16xf32>,
      %get3A_231 = vector.shape_cast %get3A_230 : vector<16xf32> to vector<16xf32>
      %swap3A_232 = arith.constant 0 : i32
      %swap3A_233 = tpu.memref_slice %arg8[%scan3A_84, %swap3A_232] : memref<50x300xf32, #tpu.memory_space<vmem>> -> memref<1x300xf32, #tpu.memory_space<vmem>>
      %swap3A_234 = tpu.memref_squeeze %swap3A_233 : memref<1x300xf32, #tpu.memory_space<vmem>> -> memref<300xf32, #tpu.memory_space<vmem>>
      %swap3A_235 = arith.constant 176 : index
      %swap3A_236 = tpu.vector_load %swap3A_234[%swap3A_235] {strides = array<i32>} : memref<300xf32, #tpu.memory_space<vmem>>, vector<16xf32>,
      %swap3A_237 = vector.shape_cast %swap3A_236 : vector<16xf32> to vector<16xf32>
      %swap3A_238 = vector.shape_cast %get3A_231 : vector<16xf32> to vector<16xf32>
      tpu.vector_store %swap3A_234[%swap3A_235], %swap3A_238 {strides = array<i32>} : memref<300xf32, #tpu.memory_space<vmem>>, vector<16xf32>,
      %get3A_239 = arith.constant 0 : i32
      %get3A_240 = tpu.memref_slice %arg6[%scan3A_84, %get3A_239] : memref<50x304xf32, #tpu.memory_space<vmem>> -> memref<1x304xf32, #tpu.memory_space<vmem>>
      %get3A_241 = tpu.memref_squeeze %get3A_240 : memref<1x304xf32, #tpu.memory_space<vmem>> -> memref<304xf32, #tpu.memory_space<vmem>>
      %get3A_242 = arith.constant 192 : index
      %get3A_243 = tpu.vector_load %get3A_241[%get3A_242] {strides = array<i32>} : memref<304xf32, #tpu.memory_space<vmem>>, vector<16xf32>,
      %get3A_244 = vector.shape_cast %get3A_243 : vector<16xf32> to vector<16xf32>
      %swap3A_245 = arith.constant 0 : i32
      %swap3A_246 = tpu.memref_slice %arg8[%scan3A_84, %swap3A_245] : memref<50x300xf32, #tpu.memory_space<vmem>> -> memref<1x300xf32, #tpu.memory_space<vmem>>
      %swap3A_247 = tpu.memref_squeeze %swap3A_246 : memref<1x300xf32, #tpu.memory_space<vmem>> -> memref<300xf32, #tpu.memory_space<vmem>>
      %swap3A_248 = arith.constant 192 : index
      %swap3A_249 = tpu.vector_load %swap3A_247[%swap3A_248] {strides = array<i32>} : memref<300xf32, #tpu.memory_space<vmem>>, vector<16xf32>,
      %swap3A_250 = vector.shape_cast %swap3A_249 : vector<16xf32> to vector<16xf32>
      %swap3A_251 = vector.shape_cast %get3A_244 : vector<16xf32> to vector<16xf32>
      tpu.vector_store %swap3A_247[%swap3A_248], %swap3A_251 {strides = array<i32>} : memref<300xf32, #tpu.memory_space<vmem>>, vector<16xf32>,
      %get3A_252 = arith.constant 0 : i32
      %get3A_253 = tpu.memref_slice %arg6[%scan3A_84, %get3A_252] : memref<50x304xf32, #tpu.memory_space<vmem>> -> memref<1x304xf32, #tpu.memory_space<vmem>>
      %get3A_254 = tpu.memref_squeeze %get3A_253 : memref<1x304xf32, #tpu.memory_space<vmem>> -> memref<304xf32, #tpu.memory_space<vmem>>
      %get3A_255 = arith.constant 208 : index
      %get3A_256 = tpu.vector_load %get3A_254[%get3A_255] {strides = array<i32>} : memref<304xf32, #tpu.memory_space<vmem>>, vector<16xf32>,
      %get3A_257 = vector.shape_cast %get3A_256 : vector<16xf32> to vector<16xf32>
      %swap3A_258 = arith.constant 0 : i32
      %swap3A_259 = tpu.memref_slice %arg8[%scan3A_84, %swap3A_258] : memref<50x300xf32, #tpu.memory_space<vmem>> -> memref<1x300xf32, #tpu.memory_space<vmem>>
      %swap3A_260 = tpu.memref_squeeze %swap3A_259 : memref<1x300xf32, #tpu.memory_space<vmem>> -> memref<300xf32, #tpu.memory_space<vmem>>
      %swap3A_261 = arith.constant 208 : index
      %swap3A_262 = tpu.vector_load %swap3A_260[%swap3A_261] {strides = array<i32>} : memref<300xf32, #tpu.memory_space<vmem>>, vector<16xf32>,
      %swap3A_263 = vector.shape_cast %swap3A_262 : vector<16xf32> to vector<16xf32>
      %swap3A_264 = vector.shape_cast %get3A_257 : vector<16xf32> to vector<16xf32>
      tpu.vector_store %swap3A_260[%swap3A_261], %swap3A_264 {strides = array<i32>} : memref<300xf32, #tpu.memory_space<vmem>>, vector<16xf32>,
      %get3A_265 = arith.constant 0 : i32
      %get3A_266 = tpu.memref_slice %arg6[%scan3A_84, %get3A_265] : memref<50x304xf32, #tpu.memory_space<vmem>> -> memref<1x304xf32, #tpu.memory_space<vmem>>
      %get3A_267 = tpu.memref_squeeze %get3A_266 : memref<1x304xf32, #tpu.memory_space<vmem>> -> memref<304xf32, #tpu.memory_space<vmem>>
      %get3A_268 = arith.constant 224 : index
      %get3A_269 = tpu.vector_load %get3A_267[%get3A_268] {strides = array<i32>} : memref<304xf32, #tpu.memory_space<vmem>>, vector<16xf32>,
      %get3A_270 = vector.shape_cast %get3A_269 : vector<16xf32> to vector<16xf32>
      %swap3A_271 = arith.constant 0 : i32
      %swap3A_272 = tpu.memref_slice %arg8[%scan3A_84, %swap3A_271] : memref<50x300xf32, #tpu.memory_space<vmem>> -> memref<1x300xf32, #tpu.memory_space<vmem>>
      %swap3A_273 = tpu.memref_squeeze %swap3A_272 : memref<1x300xf32, #tpu.memory_space<vmem>> -> memref<300xf32, #tpu.memory_space<vmem>>
      %swap3A_274 = arith.constant 224 : index
      %swap3A_275 = tpu.vector_load %swap3A_273[%swap3A_274] {strides = array<i32>} : memref<300xf32, #tpu.memory_space<vmem>>, vector<16xf32>,
      %swap3A_276 = vector.shape_cast %swap3A_275 : vector<16xf32> to vector<16xf32>
      %swap3A_277 = vector.shape_cast %get3A_270 : vector<16xf32> to vector<16xf32>
      tpu.vector_store %swap3A_273[%swap3A_274], %swap3A_277 {strides = array<i32>} : memref<300xf32, #tpu.memory_space<vmem>>, vector<16xf32>,
      %get3A_278 = arith.constant 0 : i32
      %get3A_279 = tpu.memref_slice %arg6[%scan3A_84, %get3A_278] : memref<50x304xf32, #tpu.memory_space<vmem>> -> memref<1x304xf32, #tpu.memory_space<vmem>>
      %get3A_280 = tpu.memref_squeeze %get3A_279 : memref<1x304xf32, #tpu.memory_space<vmem>> -> memref<304xf32, #tpu.memory_space<vmem>>
      %get3A_281 = arith.constant 240 : index
      %get3A_282 = tpu.vector_load %get3A_280[%get3A_281] {strides = array<i32>} : memref<304xf32, #tpu.memory_space<vmem>>, vector<16xf32>,
      %get3A_283 = vector.shape_cast %get3A_282 : vector<16xf32> to vector<16xf32>
      %swap3A_284 = arith.constant 0 : i32
      %swap3A_285 = tpu.memref_slice %arg8[%scan3A_84, %swap3A_284] : memref<50x300xf32, #tpu.memory_space<vmem>> -> memref<1x300xf32, #tpu.memory_space<vmem>>
      %swap3A_286 = tpu.memref_squeeze %swap3A_285 : memref<1x300xf32, #tpu.memory_space<vmem>> -> memref<300xf32, #tpu.memory_space<vmem>>
      %swap3A_287 = arith.constant 240 : index
      %swap3A_288 = tpu.vector_load %swap3A_286[%swap3A_287] {strides = array<i32>} : memref<300xf32, #tpu.memory_space<vmem>>, vector<16xf32>,
      %swap3A_289 = vector.shape_cast %swap3A_288 : vector<16xf32> to vector<16xf32>
      %swap3A_290 = vector.shape_cast %get3A_283 : vector<16xf32> to vector<16xf32>
      tpu.vector_store %swap3A_286[%swap3A_287], %swap3A_290 {strides = array<i32>} : memref<300xf32, #tpu.memory_space<vmem>>, vector<16xf32>,
      %get3A_291 = arith.constant 0 : i32
      %get3A_292 = tpu.memref_slice %arg6[%scan3A_84, %get3A_291] : memref<50x304xf32, #tpu.memory_space<vmem>> -> memref<1x304xf32, #tpu.memory_space<vmem>>
      %get3A_293 = tpu.memref_squeeze %get3A_292 : memref<1x304xf32, #tpu.memory_space<vmem>> -> memref<304xf32, #tpu.memory_space<vmem>>
      %get3A_294 = arith.constant 256 : index
      %get3A_295 = tpu.vector_load %get3A_293[%get3A_294] {strides = array<i32>} : memref<304xf32, #tpu.memory_space<vmem>>, vector<16xf32>,
      %get3A_296 = vector.shape_cast %get3A_295 : vector<16xf32> to vector<16xf32>
      %swap3A_297 = arith.constant 0 : i32
      %swap3A_298 = tpu.memref_slice %arg8[%scan3A_84, %swap3A_297] : memref<50x300xf32, #tpu.memory_space<vmem>> -> memref<1x300xf32, #tpu.memory_space<vmem>>
      %swap3A_299 = tpu.memref_squeeze %swap3A_298 : memref<1x300xf32, #tpu.memory_space<vmem>> -> memref<300xf32, #tpu.memory_space<vmem>>
      %swap3A_300 = arith.constant 256 : index
      %swap3A_301 = tpu.vector_load %swap3A_299[%swap3A_300] {strides = array<i32>} : memref<300xf32, #tpu.memory_space<vmem>>, vector<16xf32>,
      %swap3A_302 = vector.shape_cast %swap3A_301 : vector<16xf32> to vector<16xf32>
      %swap3A_303 = vector.shape_cast %get3A_296 : vector<16xf32> to vector<16xf32>
      tpu.vector_store %swap3A_299[%swap3A_300], %swap3A_303 {strides = array<i32>} : memref<300xf32, #tpu.memory_space<vmem>>, vector<16xf32>,
      %get3A_304 = arith.constant 0 : i32
      %get3A_305 = tpu.memref_slice %arg6[%scan3A_84, %get3A_304] : memref<50x304xf32, #tpu.memory_space<vmem>> -> memref<1x304xf32, #tpu.memory_space<vmem>>
      %get3A_306 = tpu.memref_squeeze %get3A_305 : memref<1x304xf32, #tpu.memory_space<vmem>> -> memref<304xf32, #tpu.memory_space<vmem>>
      %get3A_307 = arith.constant 272 : index
      %get3A_308 = tpu.vector_load %get3A_306[%get3A_307] {strides = array<i32>} : memref<304xf32, #tpu.memory_space<vmem>>, vector<16xf32>,
      %get3A_309 = vector.shape_cast %get3A_308 : vector<16xf32> to vector<16xf32>
      %swap3A_310 = arith.constant 0 : i32
      %swap3A_311 = tpu.memref_slice %arg8[%scan3A_84, %swap3A_310] : memref<50x300xf32, #tpu.memory_space<vmem>> -> memref<1x300xf32, #tpu.memory_space<vmem>>
      %swap3A_312 = tpu.memref_squeeze %swap3A_311 : memref<1x300xf32, #tpu.memory_space<vmem>> -> memref<300xf32, #tpu.memory_space<vmem>>
      %swap3A_313 = arith.constant 272 : index
      %swap3A_314 = tpu.vector_load %swap3A_312[%swap3A_313] {strides = array<i32>} : memref<300xf32, #tpu.memory_space<vmem>>, vector<16xf32>,
      %swap3A_315 = vector.shape_cast %swap3A_314 : vector<16xf32> to vector<16xf32>
      %swap3A_316 = vector.shape_cast %get3A_309 : vector<16xf32> to vector<16xf32>
      tpu.vector_store %swap3A_312[%swap3A_313], %swap3A_316 {strides = array<i32>} : memref<300xf32, #tpu.memory_space<vmem>>, vector<16xf32>,
      %get3A_317 = arith.constant 0 : i32
      %get3A_318 = tpu.memref_slice %arg6[%scan3A_84, %get3A_317] : memref<50x304xf32, #tpu.memory_space<vmem>> -> memref<1x304xf32, #tpu.memory_space<vmem>>
      %get3A_319 = tpu.memref_squeeze %get3A_318 : memref<1x304xf32, #tpu.memory_space<vmem>> -> memref<304xf32, #tpu.memory_space<vmem>>
      %get3A_320 = arith.constant 284 : index
      %get3A_321 = tpu.vector_load %get3A_319[%get3A_320] {strides = array<i32>} : memref<304xf32, #tpu.memory_space<vmem>>, vector<16xf32>,
      %get3A_322 = vector.shape_cast %get3A_321 : vector<16xf32> to vector<16xf32>
      %swap3A_323 = arith.constant 0 : i32
      %swap3A_324 = tpu.memref_slice %arg8[%scan3A_84, %swap3A_323] : memref<50x300xf32, #tpu.memory_space<vmem>> -> memref<1x300xf32, #tpu.memory_space<vmem>>
      %swap3A_325 = tpu.memref_squeeze %swap3A_324 : memref<1x300xf32, #tpu.memory_space<vmem>> -> memref<300xf32, #tpu.memory_space<vmem>>
      %swap3A_326 = arith.constant 284 : index
      %swap3A_327 = tpu.vector_load %swap3A_325[%swap3A_326] {strides = array<i32>} : memref<300xf32, #tpu.memory_space<vmem>>, vector<16xf32>,
      %swap3A_328 = vector.shape_cast %swap3A_327 : vector<16xf32> to vector<16xf32>
      %swap3A_329 = vector.shape_cast %get3A_322 : vector<16xf32> to vector<16xf32>
      tpu.vector_store %swap3A_325[%swap3A_326], %swap3A_329 {strides = array<i32>} : memref<300xf32, #tpu.memory_space<vmem>>, vector<16xf32>,
    }
    %scan3A_34 = arith.constant 50 : i32
    %add3A_35 = arith.constant 127 : i32
    %add3A_36 = arith.addi %mul3A_4, %add3A_35 : i32
    %dma_start3A_37 = arith.constant 100 : i32
    %dma_start3A_38 = arith.constant 0 : i32
    %dma_start3A_39 = tpu.memref_slice %arg4[%add3A_36, %dma_start3A_37, %dma_start3A_38] : memref<4096x200x300xf32, #tpu.memory_space<hbm>> -> memref<1x50x300xf32, #tpu.memory_space<hbm>>
    %dma_start3A_40 = tpu.memref_squeeze %dma_start3A_39 : memref<1x50x300xf32, #tpu.memory_space<hbm>> -> memref<50x300xf32, #tpu.memory_space<hbm>>
    %dma_start3A_41 = arith.constant 100 : i32
    %dma_start3A_42 = arith.constant 0 : i32
    %dma_start3A_43 = tpu.memref_slice %arg4[%add3A_36, %dma_start3A_41, %dma_start3A_42] : memref<4096x200x300xf32, #tpu.memory_space<hbm>> -> memref<1x50x300xf32, #tpu.memory_space<hbm>>
    %dma_start3A_44 = tpu.memref_squeeze %dma_start3A_43 : memref<1x50x300xf32, #tpu.memory_space<hbm>> -> memref<50x300xf32, #tpu.memory_space<hbm>>
    tpu.enqueue_dma source(%arg8 : memref<50x300xf32, #tpu.memory_space<vmem>>) target(%dma_start3A_44 : memref<50x300xf32, #tpu.memory_space<hbm>>) target_semaphore(%arg12 : memref<!tpu.dma_semaphore, #tpu.memory_space<semaphore_mem>>)
    %dma_wait3A_45 = arith.constant 100 : i32
    %dma_wait3A_46 = arith.constant 0 : i32
    %dma_wait3A_47 = tpu.memref_slice %arg4[%add3A_36, %dma_wait3A_45, %dma_wait3A_46] : memref<4096x200x300xf32, #tpu.memory_space<hbm>> -> memref<1x50x300xf32, #tpu.memory_space<hbm>>
    %dma_wait3A_48 = tpu.memref_squeeze %dma_wait3A_47 : memref<1x50x300xf32, #tpu.memory_space<hbm>> -> memref<50x300xf32, #tpu.memory_space<hbm>>
    %dma_wait3A_49 = arith.constant 100 : i32
    %dma_wait3A_50 = arith.constant 0 : i32
    %dma_wait3A_51 = tpu.memref_slice %arg4[%add3A_36, %dma_wait3A_49, %dma_wait3A_50] : memref<4096x200x300xf32, #tpu.memory_space<hbm>> -> memref<1x50x300xf32, #tpu.memory_space<hbm>>
    %dma_wait3A_52 = tpu.memref_squeeze %dma_wait3A_51 : memref<1x50x300xf32, #tpu.memory_space<hbm>> -> memref<50x300xf32, #tpu.memory_space<hbm>>
    tpu.wait_dma2 semaphore(%arg12 : memref<!tpu.dma_semaphore, #tpu.memory_space<semaphore_mem>>) src(%arg8 : memref<50x300xf32, #tpu.memory_space<vmem>>) dst(%dma_wait3A_52 : memref<50x300xf32, #tpu.memory_space<hbm>>)
    %dma_wait3A_53 = arith.constant 511 : i32
    %dma_wait3A_54 = arith.constant 0 : i32
    %dma_wait3A_55 = tpu.memref_slice %arg5[%dma_wait3A_53, %dma_wait3A_54] : memref<512x50xi32, #tpu.memory_space<vmem>> -> memref<1x50xi32, #tpu.memory_space<vmem>>
    %dma_wait3A_56 = tpu.memref_squeeze %dma_wait3A_55 : memref<1x50xi32, #tpu.memory_space<vmem>> -> memref<50xi32, #tpu.memory_space<vmem>>
    %dma_wait3A_57 = arith.constant 0 : i32
    %dma_wait3A_58 = arith.constant 0 : i32
    %dma_wait3A_59 = tpu.memref_slice %arg3[%dma_wait3A_57, %dma_wait3A_58] : memref<26809x304xf32, #tpu.memory_space<hbm>> -> memref<26809x304xf32, #tpu.memory_space<hbm>>
    tpu.wait_indirect_dma semaphore(%arg11 : memref<!tpu.dma_semaphore, #tpu.memory_space<semaphore_mem>>) src(%dma_wait3A_59 : memref<26809x304xf32, #tpu.memory_space<hbm>>) dst(%arg7 : memref<50x304xf32, #tpu.memory_space<vmem>>)
    %scan3A_60 = arith.constant 0 : i32
    %scan3A_61 = arith.constant 0 : i32
    %scan3A_62 = arith.constant 50 : i32
    %scan3A_63 = arith.addi %scan3A_61, %scan3A_62 : i32
    %scan3A_64 = arith.constant 1 : i32
    scf.for %scan3A_84 = %scan3A_61 to %scan3A_63 step %scan3A_64  : i32 {
      %get3A = arith.constant 0 : i32
      %get3A_85 = tpu.memref_slice %arg7[%scan3A_84, %get3A] : memref<50x304xf32, #tpu.memory_space<vmem>> -> memref<1x304xf32, #tpu.memory_space<vmem>>
      %get3A_86 = tpu.memref_squeeze %get3A_85 : memref<1x304xf32, #tpu.memory_space<vmem>> -> memref<304xf32, #tpu.memory_space<vmem>>
      %get3A_87 = arith.constant 0 : index
      %get3A_88 = tpu.vector_load %get3A_86[%get3A_87] {strides = array<i32>} : memref<304xf32, #tpu.memory_space<vmem>>, vector<16xf32>,
      %get3A_89 = vector.shape_cast %get3A_88 : vector<16xf32> to vector<16xf32>
      %swap3A = arith.constant 0 : i32
      %swap3A_90 = tpu.memref_slice %arg9[%scan3A_84, %swap3A] : memref<50x300xf32, #tpu.memory_space<vmem>> -> memref<1x300xf32, #tpu.memory_space<vmem>>
      %swap3A_91 = tpu.memref_squeeze %swap3A_90 : memref<1x300xf32, #tpu.memory_space<vmem>> -> memref<300xf32, #tpu.memory_space<vmem>>
      %swap3A_92 = arith.constant 0 : index
      %swap3A_93 = tpu.vector_load %swap3A_91[%swap3A_92] {strides = array<i32>} : memref<300xf32, #tpu.memory_space<vmem>>, vector<16xf32>,
      %swap3A_94 = vector.shape_cast %swap3A_93 : vector<16xf32> to vector<16xf32>
      %swap3A_95 = vector.shape_cast %get3A_89 : vector<16xf32> to vector<16xf32>
      tpu.vector_store %swap3A_91[%swap3A_92], %swap3A_95 {strides = array<i32>} : memref<300xf32, #tpu.memory_space<vmem>>, vector<16xf32>,
      %get3A_96 = arith.constant 0 : i32
      %get3A_97 = tpu.memref_slice %arg7[%scan3A_84, %get3A_96] : memref<50x304xf32, #tpu.memory_space<vmem>> -> memref<1x304xf32, #tpu.memory_space<vmem>>
      %get3A_98 = tpu.memref_squeeze %get3A_97 : memref<1x304xf32, #tpu.memory_space<vmem>> -> memref<304xf32, #tpu.memory_space<vmem>>
      %get3A_99 = arith.constant 16 : index
      %get3A_100 = tpu.vector_load %get3A_98[%get3A_99] {strides = array<i32>} : memref<304xf32, #tpu.memory_space<vmem>>, vector<16xf32>,
      %get3A_101 = vector.shape_cast %get3A_100 : vector<16xf32> to vector<16xf32>
      %swap3A_102 = arith.constant 0 : i32
      %swap3A_103 = tpu.memref_slice %arg9[%scan3A_84, %swap3A_102] : memref<50x300xf32, #tpu.memory_space<vmem>> -> memref<1x300xf32, #tpu.memory_space<vmem>>
      %swap3A_104 = tpu.memref_squeeze %swap3A_103 : memref<1x300xf32, #tpu.memory_space<vmem>> -> memref<300xf32, #tpu.memory_space<vmem>>
      %swap3A_105 = arith.constant 16 : index
      %swap3A_106 = tpu.vector_load %swap3A_104[%swap3A_105] {strides = array<i32>} : memref<300xf32, #tpu.memory_space<vmem>>, vector<16xf32>,
      %swap3A_107 = vector.shape_cast %swap3A_106 : vector<16xf32> to vector<16xf32>
      %swap3A_108 = vector.shape_cast %get3A_101 : vector<16xf32> to vector<16xf32>
      tpu.vector_store %swap3A_104[%swap3A_105], %swap3A_108 {strides = array<i32>} : memref<300xf32, #tpu.memory_space<vmem>>, vector<16xf32>,
      %get3A_109 = arith.constant 0 : i32
      %get3A_110 = tpu.memref_slice %arg7[%scan3A_84, %get3A_109] : memref<50x304xf32, #tpu.memory_space<vmem>> -> memref<1x304xf32, #tpu.memory_space<vmem>>
      %get3A_111 = tpu.memref_squeeze %get3A_110 : memref<1x304xf32, #tpu.memory_space<vmem>> -> memref<304xf32, #tpu.memory_space<vmem>>
      %get3A_112 = arith.constant 32 : index
      %get3A_113 = tpu.vector_load %get3A_111[%get3A_112] {strides = array<i32>} : memref<304xf32, #tpu.memory_space<vmem>>, vector<16xf32>,
      %get3A_114 = vector.shape_cast %get3A_113 : vector<16xf32> to vector<16xf32>
      %swap3A_115 = arith.constant 0 : i32
      %swap3A_116 = tpu.memref_slice %arg9[%scan3A_84, %swap3A_115] : memref<50x300xf32, #tpu.memory_space<vmem>> -> memref<1x300xf32, #tpu.memory_space<vmem>>
      %swap3A_117 = tpu.memref_squeeze %swap3A_116 : memref<1x300xf32, #tpu.memory_space<vmem>> -> memref<300xf32, #tpu.memory_space<vmem>>
      %swap3A_118 = arith.constant 32 : index
      %swap3A_119 = tpu.vector_load %swap3A_117[%swap3A_118] {strides = array<i32>} : memref<300xf32, #tpu.memory_space<vmem>>, vector<16xf32>,
      %swap3A_120 = vector.shape_cast %swap3A_119 : vector<16xf32> to vector<16xf32>
      %swap3A_121 = vector.shape_cast %get3A_114 : vector<16xf32> to vector<16xf32>
      tpu.vector_store %swap3A_117[%swap3A_118], %swap3A_121 {strides = array<i32>} : memref<300xf32, #tpu.memory_space<vmem>>, vector<16xf32>,
      %get3A_122 = arith.constant 0 : i32
      %get3A_123 = tpu.memref_slice %arg7[%scan3A_84, %get3A_122] : memref<50x304xf32, #tpu.memory_space<vmem>> -> memref<1x304xf32, #tpu.memory_space<vmem>>
      %get3A_124 = tpu.memref_squeeze %get3A_123 : memref<1x304xf32, #tpu.memory_space<vmem>> -> memref<304xf32, #tpu.memory_space<vmem>>
      %get3A_125 = arith.constant 48 : index
      %get3A_126 = tpu.vector_load %get3A_124[%get3A_125] {strides = array<i32>} : memref<304xf32, #tpu.memory_space<vmem>>, vector<16xf32>,
      %get3A_127 = vector.shape_cast %get3A_126 : vector<16xf32> to vector<16xf32>
      %swap3A_128 = arith.constant 0 : i32
      %swap3A_129 = tpu.memref_slice %arg9[%scan3A_84, %swap3A_128] : memref<50x300xf32, #tpu.memory_space<vmem>> -> memref<1x300xf32, #tpu.memory_space<vmem>>
      %swap3A_130 = tpu.memref_squeeze %swap3A_129 : memref<1x300xf32, #tpu.memory_space<vmem>> -> memref<300xf32, #tpu.memory_space<vmem>>
      %swap3A_131 = arith.constant 48 : index
      %swap3A_132 = tpu.vector_load %swap3A_130[%swap3A_131] {strides = array<i32>} : memref<300xf32, #tpu.memory_space<vmem>>, vector<16xf32>,
      %swap3A_133 = vector.shape_cast %swap3A_132 : vector<16xf32> to vector<16xf32>
      %swap3A_134 = vector.shape_cast %get3A_127 : vector<16xf32> to vector<16xf32>
      tpu.vector_store %swap3A_130[%swap3A_131], %swap3A_134 {strides = array<i32>} : memref<300xf32, #tpu.memory_space<vmem>>, vector<16xf32>,
      %get3A_135 = arith.constant 0 : i32
      %get3A_136 = tpu.memref_slice %arg7[%scan3A_84, %get3A_135] : memref<50x304xf32, #tpu.memory_space<vmem>> -> memref<1x304xf32, #tpu.memory_space<vmem>>
      %get3A_137 = tpu.memref_squeeze %get3A_136 : memref<1x304xf32, #tpu.memory_space<vmem>> -> memref<304xf32, #tpu.memory_space<vmem>>
      %get3A_138 = arith.constant 64 : index
      %get3A_139 = tpu.vector_load %get3A_137[%get3A_138] {strides = array<i32>} : memref<304xf32, #tpu.memory_space<vmem>>, vector<16xf32>,
      %get3A_140 = vector.shape_cast %get3A_139 : vector<16xf32> to vector<16xf32>
      %swap3A_141 = arith.constant 0 : i32
      %swap3A_142 = tpu.memref_slice %arg9[%scan3A_84, %swap3A_141] : memref<50x300xf32, #tpu.memory_space<vmem>> -> memref<1x300xf32, #tpu.memory_space<vmem>>
      %swap3A_143 = tpu.memref_squeeze %swap3A_142 : memref<1x300xf32, #tpu.memory_space<vmem>> -> memref<300xf32, #tpu.memory_space<vmem>>
      %swap3A_144 = arith.constant 64 : index
      %swap3A_145 = tpu.vector_load %swap3A_143[%swap3A_144] {strides = array<i32>} : memref<300xf32, #tpu.memory_space<vmem>>, vector<16xf32>,
      %swap3A_146 = vector.shape_cast %swap3A_145 : vector<16xf32> to vector<16xf32>
      %swap3A_147 = vector.shape_cast %get3A_140 : vector<16xf32> to vector<16xf32>
      tpu.vector_store %swap3A_143[%swap3A_144], %swap3A_147 {strides = array<i32>} : memref<300xf32, #tpu.memory_space<vmem>>, vector<16xf32>,
      %get3A_148 = arith.constant 0 : i32
      %get3A_149 = tpu.memref_slice %arg7[%scan3A_84, %get3A_148] : memref<50x304xf32, #tpu.memory_space<vmem>> -> memref<1x304xf32, #tpu.memory_space<vmem>>
      %get3A_150 = tpu.memref_squeeze %get3A_149 : memref<1x304xf32, #tpu.memory_space<vmem>> -> memref<304xf32, #tpu.memory_space<vmem>>
      %get3A_151 = arith.constant 80 : index
      %get3A_152 = tpu.vector_load %get3A_150[%get3A_151] {strides = array<i32>} : memref<304xf32, #tpu.memory_space<vmem>>, vector<16xf32>,
      %get3A_153 = vector.shape_cast %get3A_152 : vector<16xf32> to vector<16xf32>
      %swap3A_154 = arith.constant 0 : i32
      %swap3A_155 = tpu.memref_slice %arg9[%scan3A_84, %swap3A_154] : memref<50x300xf32, #tpu.memory_space<vmem>> -> memref<1x300xf32, #tpu.memory_space<vmem>>
      %swap3A_156 = tpu.memref_squeeze %swap3A_155 : memref<1x300xf32, #tpu.memory_space<vmem>> -> memref<300xf32, #tpu.memory_space<vmem>>
      %swap3A_157 = arith.constant 80 : index
      %swap3A_158 = tpu.vector_load %swap3A_156[%swap3A_157] {strides = array<i32>} : memref<300xf32, #tpu.memory_space<vmem>>, vector<16xf32>,
      %swap3A_159 = vector.shape_cast %swap3A_158 : vector<16xf32> to vector<16xf32>
      %swap3A_160 = vector.shape_cast %get3A_153 : vector<16xf32> to vector<16xf32>
      tpu.vector_store %swap3A_156[%swap3A_157], %swap3A_160 {strides = array<i32>} : memref<300xf32, #tpu.memory_space<vmem>>, vector<16xf32>,
      %get3A_161 = arith.constant 0 : i32
      %get3A_162 = tpu.memref_slice %arg7[%scan3A_84, %get3A_161] : memref<50x304xf32, #tpu.memory_space<vmem>> -> memref<1x304xf32, #tpu.memory_space<vmem>>
      %get3A_163 = tpu.memref_squeeze %get3A_162 : memref<1x304xf32, #tpu.memory_space<vmem>> -> memref<304xf32, #tpu.memory_space<vmem>>
      %get3A_164 = arith.constant 96 : index
      %get3A_165 = tpu.vector_load %get3A_163[%get3A_164] {strides = array<i32>} : memref<304xf32, #tpu.memory_space<vmem>>, vector<16xf32>,
      %get3A_166 = vector.shape_cast %get3A_165 : vector<16xf32> to vector<16xf32>
      %swap3A_167 = arith.constant 0 : i32
      %swap3A_168 = tpu.memref_slice %arg9[%scan3A_84, %swap3A_167] : memref<50x300xf32, #tpu.memory_space<vmem>> -> memref<1x300xf32, #tpu.memory_space<vmem>>
      %swap3A_169 = tpu.memref_squeeze %swap3A_168 : memref<1x300xf32, #tpu.memory_space<vmem>> -> memref<300xf32, #tpu.memory_space<vmem>>
      %swap3A_170 = arith.constant 96 : index
      %swap3A_171 = tpu.vector_load %swap3A_169[%swap3A_170] {strides = array<i32>} : memref<300xf32, #tpu.memory_space<vmem>>, vector<16xf32>,
      %swap3A_172 = vector.shape_cast %swap3A_171 : vector<16xf32> to vector<16xf32>
      %swap3A_173 = vector.shape_cast %get3A_166 : vector<16xf32> to vector<16xf32>
      tpu.vector_store %swap3A_169[%swap3A_170], %swap3A_173 {strides = array<i32>} : memref<300xf32, #tpu.memory_space<vmem>>, vector<16xf32>,
      %get3A_174 = arith.constant 0 : i32
      %get3A_175 = tpu.memref_slice %arg7[%scan3A_84, %get3A_174] : memref<50x304xf32, #tpu.memory_space<vmem>> -> memref<1x304xf32, #tpu.memory_space<vmem>>
      %get3A_176 = tpu.memref_squeeze %get3A_175 : memref<1x304xf32, #tpu.memory_space<vmem>> -> memref<304xf32, #tpu.memory_space<vmem>>
      %get3A_177 = arith.constant 112 : index
      %get3A_178 = tpu.vector_load %get3A_176[%get3A_177] {strides = array<i32>} : memref<304xf32, #tpu.memory_space<vmem>>, vector<16xf32>,
      %get3A_179 = vector.shape_cast %get3A_178 : vector<16xf32> to vector<16xf32>
      %swap3A_180 = arith.constant 0 : i32
      %swap3A_181 = tpu.memref_slice %arg9[%scan3A_84, %swap3A_180] : memref<50x300xf32, #tpu.memory_space<vmem>> -> memref<1x300xf32, #tpu.memory_space<vmem>>
      %swap3A_182 = tpu.memref_squeeze %swap3A_181 : memref<1x300xf32, #tpu.memory_space<vmem>> -> memref<300xf32, #tpu.memory_space<vmem>>
      %swap3A_183 = arith.constant 112 : index
      %swap3A_184 = tpu.vector_load %swap3A_182[%swap3A_183] {strides = array<i32>} : memref<300xf32, #tpu.memory_space<vmem>>, vector<16xf32>,
      %swap3A_185 = vector.shape_cast %swap3A_184 : vector<16xf32> to vector<16xf32>
      %swap3A_186 = vector.shape_cast %get3A_179 : vector<16xf32> to vector<16xf32>
      tpu.vector_store %swap3A_182[%swap3A_183], %swap3A_186 {strides = array<i32>} : memref<300xf32, #tpu.memory_space<vmem>>, vector<16xf32>,
      %get3A_187 = arith.constant 0 : i32
      %get3A_188 = tpu.memref_slice %arg7[%scan3A_84, %get3A_187] : memref<50x304xf32, #tpu.memory_space<vmem>> -> memref<1x304xf32, #tpu.memory_space<vmem>>
      %get3A_189 = tpu.memref_squeeze %get3A_188 : memref<1x304xf32, #tpu.memory_space<vmem>> -> memref<304xf32, #tpu.memory_space<vmem>>
      %get3A_190 = arith.constant 128 : index
      %get3A_191 = tpu.vector_load %get3A_189[%get3A_190] {strides = array<i32>} : memref<304xf32, #tpu.memory_space<vmem>>, vector<16xf32>,
      %get3A_192 = vector.shape_cast %get3A_191 : vector<16xf32> to vector<16xf32>
      %swap3A_193 = arith.constant 0 : i32
      %swap3A_194 = tpu.memref_slice %arg9[%scan3A_84, %swap3A_193] : memref<50x300xf32, #tpu.memory_space<vmem>> -> memref<1x300xf32, #tpu.memory_space<vmem>>
      %swap3A_195 = tpu.memref_squeeze %swap3A_194 : memref<1x300xf32, #tpu.memory_space<vmem>> -> memref<300xf32, #tpu.memory_space<vmem>>
      %swap3A_196 = arith.constant 128 : index
      %swap3A_197 = tpu.vector_load %swap3A_195[%swap3A_196] {strides = array<i32>} : memref<300xf32, #tpu.memory_space<vmem>>, vector<16xf32>,
      %swap3A_198 = vector.shape_cast %swap3A_197 : vector<16xf32> to vector<16xf32>
      %swap3A_199 = vector.shape_cast %get3A_192 : vector<16xf32> to vector<16xf32>
      tpu.vector_store %swap3A_195[%swap3A_196], %swap3A_199 {strides = array<i32>} : memref<300xf32, #tpu.memory_space<vmem>>, vector<16xf32>,
      %get3A_200 = arith.constant 0 : i32
      %get3A_201 = tpu.memref_slice %arg7[%scan3A_84, %get3A_200] : memref<50x304xf32, #tpu.memory_space<vmem>> -> memref<1x304xf32, #tpu.memory_space<vmem>>
      %get3A_202 = tpu.memref_squeeze %get3A_201 : memref<1x304xf32, #tpu.memory_space<vmem>> -> memref<304xf32, #tpu.memory_space<vmem>>
      %get3A_203 = arith.constant 144 : index
      %get3A_204 = tpu.vector_load %get3A_202[%get3A_203] {strides = array<i32>} : memref<304xf32, #tpu.memory_space<vmem>>, vector<16xf32>,
      %get3A_205 = vector.shape_cast %get3A_204 : vector<16xf32> to vector<16xf32>
      %swap3A_206 = arith.constant 0 : i32
      %swap3A_207 = tpu.memref_slice %arg9[%scan3A_84, %swap3A_206] : memref<50x300xf32, #tpu.memory_space<vmem>> -> memref<1x300xf32, #tpu.memory_space<vmem>>
      %swap3A_208 = tpu.memref_squeeze %swap3A_207 : memref<1x300xf32, #tpu.memory_space<vmem>> -> memref<300xf32, #tpu.memory_space<vmem>>
      %swap3A_209 = arith.constant 144 : index
      %swap3A_210 = tpu.vector_load %swap3A_208[%swap3A_209] {strides = array<i32>} : memref<300xf32, #tpu.memory_space<vmem>>, vector<16xf32>,
      %swap3A_211 = vector.shape_cast %swap3A_210 : vector<16xf32> to vector<16xf32>
      %swap3A_212 = vector.shape_cast %get3A_205 : vector<16xf32> to vector<16xf32>
      tpu.vector_store %swap3A_208[%swap3A_209], %swap3A_212 {strides = array<i32>} : memref<300xf32, #tpu.memory_space<vmem>>, vector<16xf32>,
      %get3A_213 = arith.constant 0 : i32
      %get3A_214 = tpu.memref_slice %arg7[%scan3A_84, %get3A_213] : memref<50x304xf32, #tpu.memory_space<vmem>> -> memref<1x304xf32, #tpu.memory_space<vmem>>
      %get3A_215 = tpu.memref_squeeze %get3A_214 : memref<1x304xf32, #tpu.memory_space<vmem>> -> memref<304xf32, #tpu.memory_space<vmem>>
      %get3A_216 = arith.constant 160 : index
      %get3A_217 = tpu.vector_load %get3A_215[%get3A_216] {strides = array<i32>} : memref<304xf32, #tpu.memory_space<vmem>>, vector<16xf32>,
      %get3A_218 = vector.shape_cast %get3A_217 : vector<16xf32> to vector<16xf32>
      %swap3A_219 = arith.constant 0 : i32
      %swap3A_220 = tpu.memref_slice %arg9[%scan3A_84, %swap3A_219] : memref<50x300xf32, #tpu.memory_space<vmem>> -> memref<1x300xf32, #tpu.memory_space<vmem>>
      %swap3A_221 = tpu.memref_squeeze %swap3A_220 : memref<1x300xf32, #tpu.memory_space<vmem>> -> memref<300xf32, #tpu.memory_space<vmem>>
      %swap3A_222 = arith.constant 160 : index
      %swap3A_223 = tpu.vector_load %swap3A_221[%swap3A_222] {strides = array<i32>} : memref<300xf32, #tpu.memory_space<vmem>>, vector<16xf32>,
      %swap3A_224 = vector.shape_cast %swap3A_223 : vector<16xf32> to vector<16xf32>
      %swap3A_225 = vector.shape_cast %get3A_218 : vector<16xf32> to vector<16xf32>
      tpu.vector_store %swap3A_221[%swap3A_222], %swap3A_225 {strides = array<i32>} : memref<300xf32, #tpu.memory_space<vmem>>, vector<16xf32>,
      %get3A_226 = arith.constant 0 : i32
      %get3A_227 = tpu.memref_slice %arg7[%scan3A_84, %get3A_226] : memref<50x304xf32, #tpu.memory_space<vmem>> -> memref<1x304xf32, #tpu.memory_space<vmem>>
      %get3A_228 = tpu.memref_squeeze %get3A_227 : memref<1x304xf32, #tpu.memory_space<vmem>> -> memref<304xf32, #tpu.memory_space<vmem>>
      %get3A_229 = arith.constant 176 : index
      %get3A_230 = tpu.vector_load %get3A_228[%get3A_229] {strides = array<i32>} : memref<304xf32, #tpu.memory_space<vmem>>, vector<16xf32>,
      %get3A_231 = vector.shape_cast %get3A_230 : vector<16xf32> to vector<16xf32>
      %swap3A_232 = arith.constant 0 : i32
      %swap3A_233 = tpu.memref_slice %arg9[%scan3A_84, %swap3A_232] : memref<50x300xf32, #tpu.memory_space<vmem>> -> memref<1x300xf32, #tpu.memory_space<vmem>>
      %swap3A_234 = tpu.memref_squeeze %swap3A_233 : memref<1x300xf32, #tpu.memory_space<vmem>> -> memref<300xf32, #tpu.memory_space<vmem>>
      %swap3A_235 = arith.constant 176 : index
      %swap3A_236 = tpu.vector_load %swap3A_234[%swap3A_235] {strides = array<i32>} : memref<300xf32, #tpu.memory_space<vmem>>, vector<16xf32>,
      %swap3A_237 = vector.shape_cast %swap3A_236 : vector<16xf32> to vector<16xf32>
      %swap3A_238 = vector.shape_cast %get3A_231 : vector<16xf32> to vector<16xf32>
      tpu.vector_store %swap3A_234[%swap3A_235], %swap3A_238 {strides = array<i32>} : memref<300xf32, #tpu.memory_space<vmem>>, vector<16xf32>,
      %get3A_239 = arith.constant 0 : i32
      %get3A_240 = tpu.memref_slice %arg7[%scan3A_84, %get3A_239] : memref<50x304xf32, #tpu.memory_space<vmem>> -> memref<1x304xf32, #tpu.memory_space<vmem>>
      %get3A_241 = tpu.memref_squeeze %get3A_240 : memref<1x304xf32, #tpu.memory_space<vmem>> -> memref<304xf32, #tpu.memory_space<vmem>>
      %get3A_242 = arith.constant 192 : index
      %get3A_243 = tpu.vector_load %get3A_241[%get3A_242] {strides = array<i32>} : memref<304xf32, #tpu.memory_space<vmem>>, vector<16xf32>,
      %get3A_244 = vector.shape_cast %get3A_243 : vector<16xf32> to vector<16xf32>
      %swap3A_245 = arith.constant 0 : i32
      %swap3A_246 = tpu.memref_slice %arg9[%scan3A_84, %swap3A_245] : memref<50x300xf32, #tpu.memory_space<vmem>> -> memref<1x300xf32, #tpu.memory_space<vmem>>
      %swap3A_247 = tpu.memref_squeeze %swap3A_246 : memref<1x300xf32, #tpu.memory_space<vmem>> -> memref<300xf32, #tpu.memory_space<vmem>>
      %swap3A_248 = arith.constant 192 : index
      %swap3A_249 = tpu.vector_load %swap3A_247[%swap3A_248] {strides = array<i32>} : memref<300xf32, #tpu.memory_space<vmem>>, vector<16xf32>,
      %swap3A_250 = vector.shape_cast %swap3A_249 : vector<16xf32> to vector<16xf32>
      %swap3A_251 = vector.shape_cast %get3A_244 : vector<16xf32> to vector<16xf32>
      tpu.vector_store %swap3A_247[%swap3A_248], %swap3A_251 {strides = array<i32>} : memref<300xf32, #tpu.memory_space<vmem>>, vector<16xf32>,
      %get3A_252 = arith.constant 0 : i32
      %get3A_253 = tpu.memref_slice %arg7[%scan3A_84, %get3A_252] : memref<50x304xf32, #tpu.memory_space<vmem>> -> memref<1x304xf32, #tpu.memory_space<vmem>>
      %get3A_254 = tpu.memref_squeeze %get3A_253 : memref<1x304xf32, #tpu.memory_space<vmem>> -> memref<304xf32, #tpu.memory_space<vmem>>
      %get3A_255 = arith.constant 208 : index
      %get3A_256 = tpu.vector_load %get3A_254[%get3A_255] {strides = array<i32>} : memref<304xf32, #tpu.memory_space<vmem>>, vector<16xf32>,
      %get3A_257 = vector.shape_cast %get3A_256 : vector<16xf32> to vector<16xf32>
      %swap3A_258 = arith.constant 0 : i32
      %swap3A_259 = tpu.memref_slice %arg9[%scan3A_84, %swap3A_258] : memref<50x300xf32, #tpu.memory_space<vmem>> -> memref<1x300xf32, #tpu.memory_space<vmem>>
      %swap3A_260 = tpu.memref_squeeze %swap3A_259 : memref<1x300xf32, #tpu.memory_space<vmem>> -> memref<300xf32, #tpu.memory_space<vmem>>
      %swap3A_261 = arith.constant 208 : index
      %swap3A_262 = tpu.vector_load %swap3A_260[%swap3A_261] {strides = array<i32>} : memref<300xf32, #tpu.memory_space<vmem>>, vector<16xf32>,
      %swap3A_263 = vector.shape_cast %swap3A_262 : vector<16xf32> to vector<16xf32>
      %swap3A_264 = vector.shape_cast %get3A_257 : vector<16xf32> to vector<16xf32>
      tpu.vector_store %swap3A_260[%swap3A_261], %swap3A_264 {strides = array<i32>} : memref<300xf32, #tpu.memory_space<vmem>>, vector<16xf32>,
      %get3A_265 = arith.constant 0 : i32
      %get3A_266 = tpu.memref_slice %arg7[%scan3A_84, %get3A_265] : memref<50x304xf32, #tpu.memory_space<vmem>> -> memref<1x304xf32, #tpu.memory_space<vmem>>
      %get3A_267 = tpu.memref_squeeze %get3A_266 : memref<1x304xf32, #tpu.memory_space<vmem>> -> memref<304xf32, #tpu.memory_space<vmem>>
      %get3A_268 = arith.constant 224 : index
      %get3A_269 = tpu.vector_load %get3A_267[%get3A_268] {strides = array<i32>} : memref<304xf32, #tpu.memory_space<vmem>>, vector<16xf32>,
      %get3A_270 = vector.shape_cast %get3A_269 : vector<16xf32> to vector<16xf32>
      %swap3A_271 = arith.constant 0 : i32
      %swap3A_272 = tpu.memref_slice %arg9[%scan3A_84, %swap3A_271] : memref<50x300xf32, #tpu.memory_space<vmem>> -> memref<1x300xf32, #tpu.memory_space<vmem>>
      %swap3A_273 = tpu.memref_squeeze %swap3A_272 : memref<1x300xf32, #tpu.memory_space<vmem>> -> memref<300xf32, #tpu.memory_space<vmem>>
      %swap3A_274 = arith.constant 224 : index
      %swap3A_275 = tpu.vector_load %swap3A_273[%swap3A_274] {strides = array<i32>} : memref<300xf32, #tpu.memory_space<vmem>>, vector<16xf32>,
      %swap3A_276 = vector.shape_cast %swap3A_275 : vector<16xf32> to vector<16xf32>
      %swap3A_277 = vector.shape_cast %get3A_270 : vector<16xf32> to vector<16xf32>
      tpu.vector_store %swap3A_273[%swap3A_274], %swap3A_277 {strides = array<i32>} : memref<300xf32, #tpu.memory_space<vmem>>, vector<16xf32>,
      %get3A_278 = arith.constant 0 : i32
      %get3A_279 = tpu.memref_slice %arg7[%scan3A_84, %get3A_278] : memref<50x304xf32, #tpu.memory_space<vmem>> -> memref<1x304xf32, #tpu.memory_space<vmem>>
      %get3A_280 = tpu.memref_squeeze %get3A_279 : memref<1x304xf32, #tpu.memory_space<vmem>> -> memref<304xf32, #tpu.memory_space<vmem>>
      %get3A_281 = arith.constant 240 : index
      %get3A_282 = tpu.vector_load %get3A_280[%get3A_281] {strides = array<i32>} : memref<304xf32, #tpu.memory_space<vmem>>, vector<16xf32>,
      %get3A_283 = vector.shape_cast %get3A_282 : vector<16xf32> to vector<16xf32>
      %swap3A_284 = arith.constant 0 : i32
      %swap3A_285 = tpu.memref_slice %arg9[%scan3A_84, %swap3A_284] : memref<50x300xf32, #tpu.memory_space<vmem>> -> memref<1x300xf32, #tpu.memory_space<vmem>>
      %swap3A_286 = tpu.memref_squeeze %swap3A_285 : memref<1x300xf32, #tpu.memory_space<vmem>> -> memref<300xf32, #tpu.memory_space<vmem>>
      %swap3A_287 = arith.constant 240 : index
      %swap3A_288 = tpu.vector_load %swap3A_286[%swap3A_287] {strides = array<i32>} : memref<300xf32, #tpu.memory_space<vmem>>, vector<16xf32>,
      %swap3A_289 = vector.shape_cast %swap3A_288 : vector<16xf32> to vector<16xf32>
      %swap3A_290 = vector.shape_cast %get3A_283 : vector<16xf32> to vector<16xf32>
      tpu.vector_store %swap3A_286[%swap3A_287], %swap3A_290 {strides = array<i32>} : memref<300xf32, #tpu.memory_space<vmem>>, vector<16xf32>,
      %get3A_291 = arith.constant 0 : i32
      %get3A_292 = tpu.memref_slice %arg7[%scan3A_84, %get3A_291] : memref<50x304xf32, #tpu.memory_space<vmem>> -> memref<1x304xf32, #tpu.memory_space<vmem>>
      %get3A_293 = tpu.memref_squeeze %get3A_292 : memref<1x304xf32, #tpu.memory_space<vmem>> -> memref<304xf32, #tpu.memory_space<vmem>>
      %get3A_294 = arith.constant 256 : index
      %get3A_295 = tpu.vector_load %get3A_293[%get3A_294] {strides = array<i32>} : memref<304xf32, #tpu.memory_space<vmem>>, vector<16xf32>,
      %get3A_296 = vector.shape_cast %get3A_295 : vector<16xf32> to vector<16xf32>
      %swap3A_297 = arith.constant 0 : i32
      %swap3A_298 = tpu.memref_slice %arg9[%scan3A_84, %swap3A_297] : memref<50x300xf32, #tpu.memory_space<vmem>> -> memref<1x300xf32, #tpu.memory_space<vmem>>
      %swap3A_299 = tpu.memref_squeeze %swap3A_298 : memref<1x300xf32, #tpu.memory_space<vmem>> -> memref<300xf32, #tpu.memory_space<vmem>>
      %swap3A_300 = arith.constant 256 : index
      %swap3A_301 = tpu.vector_load %swap3A_299[%swap3A_300] {strides = array<i32>} : memref<300xf32, #tpu.memory_space<vmem>>, vector<16xf32>,
      %swap3A_302 = vector.shape_cast %swap3A_301 : vector<16xf32> to vector<16xf32>
      %swap3A_303 = vector.shape_cast %get3A_296 : vector<16xf32> to vector<16xf32>
      tpu.vector_store %swap3A_299[%swap3A_300], %swap3A_303 {strides = array<i32>} : memref<300xf32, #tpu.memory_space<vmem>>, vector<16xf32>,
      %get3A_304 = arith.constant 0 : i32
      %get3A_305 = tpu.memref_slice %arg7[%scan3A_84, %get3A_304] : memref<50x304xf32, #tpu.memory_space<vmem>> -> memref<1x304xf32, #tpu.memory_space<vmem>>
      %get3A_306 = tpu.memref_squeeze %get3A_305 : memref<1x304xf32, #tpu.memory_space<vmem>> -> memref<304xf32, #tpu.memory_space<vmem>>
      %get3A_307 = arith.constant 272 : index
      %get3A_308 = tpu.vector_load %get3A_306[%get3A_307] {strides = array<i32>} : memref<304xf32, #tpu.memory_space<vmem>>, vector<16xf32>,
      %get3A_309 = vector.shape_cast %get3A_308 : vector<16xf32> to vector<16xf32>
      %swap3A_310 = arith.constant 0 : i32
      %swap3A_311 = tpu.memref_slice %arg9[%scan3A_84, %swap3A_310] : memref<50x300xf32, #tpu.memory_space<vmem>> -> memref<1x300xf32, #tpu.memory_space<vmem>>
      %swap3A_312 = tpu.memref_squeeze %swap3A_311 : memref<1x300xf32, #tpu.memory_space<vmem>> -> memref<300xf32, #tpu.memory_space<vmem>>
      %swap3A_313 = arith.constant 272 : index
      %swap3A_314 = tpu.vector_load %swap3A_312[%swap3A_313] {strides = array<i32>} : memref<300xf32, #tpu.memory_space<vmem>>, vector<16xf32>,
      %swap3A_315 = vector.shape_cast %swap3A_314 : vector<16xf32> to vector<16xf32>
      %swap3A_316 = vector.shape_cast %get3A_309 : vector<16xf32> to vector<16xf32>
      tpu.vector_store %swap3A_312[%swap3A_313], %swap3A_316 {strides = array<i32>} : memref<300xf32, #tpu.memory_space<vmem>>, vector<16xf32>,
      %get3A_317 = arith.constant 0 : i32
      %get3A_318 = tpu.memref_slice %arg7[%scan3A_84, %get3A_317] : memref<50x304xf32, #tpu.memory_space<vmem>> -> memref<1x304xf32, #tpu.memory_space<vmem>>
      %get3A_319 = tpu.memref_squeeze %get3A_318 : memref<1x304xf32, #tpu.memory_space<vmem>> -> memref<304xf32, #tpu.memory_space<vmem>>
      %get3A_320 = arith.constant 284 : index
      %get3A_321 = tpu.vector_load %get3A_319[%get3A_320] {strides = array<i32>} : memref<304xf32, #tpu.memory_space<vmem>>, vector<16xf32>,
      %get3A_322 = vector.shape_cast %get3A_321 : vector<16xf32> to vector<16xf32>
      %swap3A_323 = arith.constant 0 : i32
      %swap3A_324 = tpu.memref_slice %arg9[%scan3A_84, %swap3A_323] : memref<50x300xf32, #tpu.memory_space<vmem>> -> memref<1x300xf32, #tpu.memory_space<vmem>>
      %swap3A_325 = tpu.memref_squeeze %swap3A_324 : memref<1x300xf32, #tpu.memory_space<vmem>> -> memref<300xf32, #tpu.memory_space<vmem>>
      %swap3A_326 = arith.constant 284 : index
      %swap3A_327 = tpu.vector_load %swap3A_325[%swap3A_326] {strides = array<i32>} : memref<300xf32, #tpu.memory_space<vmem>>, vector<16xf32>,
      %swap3A_328 = vector.shape_cast %swap3A_327 : vector<16xf32> to vector<16xf32>
      %swap3A_329 = vector.shape_cast %get3A_322 : vector<16xf32> to vector<16xf32>
      tpu.vector_store %swap3A_325[%swap3A_326], %swap3A_329 {strides = array<i32>} : memref<300xf32, #tpu.memory_space<vmem>>, vector<16xf32>,
    }
    %scan3A_65 = arith.constant 50 : i32
    %add3A_66 = arith.constant 127 : i32
    %add3A_67 = arith.addi %mul3A_4, %add3A_66 : i32
    %dma_start3A_68 = arith.constant 150 : i32
    %dma_start3A_69 = arith.constant 0 : i32
    %dma_start3A_70 = tpu.memref_slice %arg4[%add3A_67, %dma_start3A_68, %dma_start3A_69] : memref<4096x200x300xf32, #tpu.memory_space<hbm>> -> memref<1x50x300xf32, #tpu.memory_space<hbm>>
    %dma_start3A_71 = tpu.memref_squeeze %dma_start3A_70 : memref<1x50x300xf32, #tpu.memory_space<hbm>> -> memref<50x300xf32, #tpu.memory_space<hbm>>
    %dma_start3A_72 = arith.constant 150 : i32
    %dma_start3A_73 = arith.constant 0 : i32
    %dma_start3A_74 = tpu.memref_slice %arg4[%add3A_67, %dma_start3A_72, %dma_start3A_73] : memref<4096x200x300xf32, #tpu.memory_space<hbm>> -> memref<1x50x300xf32, #tpu.memory_space<hbm>>
    %dma_start3A_75 = tpu.memref_squeeze %dma_start3A_74 : memref<1x50x300xf32, #tpu.memory_space<hbm>> -> memref<50x300xf32, #tpu.memory_space<hbm>>
    tpu.enqueue_dma source(%arg9 : memref<50x300xf32, #tpu.memory_space<vmem>>) target(%dma_start3A_75 : memref<50x300xf32, #tpu.memory_space<hbm>>) target_semaphore(%arg13 : memref<!tpu.dma_semaphore, #tpu.memory_space<semaphore_mem>>)
    %dma_wait3A_76 = arith.constant 150 : i32
    %dma_wait3A_77 = arith.constant 0 : i32
    %dma_wait3A_78 = tpu.memref_slice %arg4[%add3A_67, %dma_wait3A_76, %dma_wait3A_77] : memref<4096x200x300xf32, #tpu.memory_space<hbm>> -> memref<1x50x300xf32, #tpu.memory_space<hbm>>
    %dma_wait3A_79 = tpu.memref_squeeze %dma_wait3A_78 : memref<1x50x300xf32, #tpu.memory_space<hbm>> -> memref<50x300xf32, #tpu.memory_space<hbm>>
    %dma_wait3A_80 = arith.constant 150 : i32
    %dma_wait3A_81 = arith.constant 0 : i32
    %dma_wait3A_82 = tpu.memref_slice %arg4[%add3A_67, %dma_wait3A_80, %dma_wait3A_81] : memref<4096x200x300xf32, #tpu.memory_space<hbm>> -> memref<1x50x300xf32, #tpu.memory_space<hbm>>
    %dma_wait3A_83 = tpu.memref_squeeze %dma_wait3A_82 : memref<1x50x300xf32, #tpu.memory_space<hbm>> -> memref<50x300xf32, #tpu.memory_space<hbm>>
    tpu.wait_dma2 semaphore(%arg13 : memref<!tpu.dma_semaphore, #tpu.memory_space<semaphore_mem>>) src(%arg9 : memref<50x300xf32, #tpu.memory_space<vmem>>) dst(%dma_wait3A_83 : memref<50x300xf32, #tpu.memory_space<hbm>>)
    return
  }
}

</mosaic_0001>

<sc_bundles>
// kernel: kernel.3.cloned.1.call-start
scs
__scs_entry_jumppad:
0x0: {  	(pc) =	sbr.rel $0x88, $3  }
0x1: {  	(tag) =	ssettag $0x0;
	lr =	simm.s32 $0x1  }
0x2: {  	[smem:$0x3F9F] =	sst lr;
	_ =	strace $0xD0000000  }
0x3: {  	_ = 	snop  }
0x4: {  	_ = 	snop  }
0x5: {  	_ = 	snop  }
0x6: {  	_ = 	snop  }
0x7: {  	_ = 	snop  }
__scs_overlays_trampoline_lowered:
0x8: {  	[smem:$0x3FAE] =	sst s0  }
0x9: {  	[smem:$0x3FAF] =	sst s1  }
0xa: {  	[smem:$0x3FB0] =	sst s2  }
0xb: {  	[smem:$0x3FB1] =	sst s3  }
0xc: {  	[smem:$0x3FB2] =	sst s4  }
0xd: {  	[smem:$0x3FB3] =	sst s5  }
0xe: {  	[smem:$0x3FB4] =	sst s6  }
0xf: {  	[smem:$0x3FB5] =	sst s7  }
0x10: {  	[smem:$0x3FB6] =	sst s8  }
0x11: {  	[smem:$0x3FB7] =	sst s9;
	s0 =	simm.s32 @!p0 $0x0  }
0x12: {  	s1 =	sld [smem:$0x3F9D];
	s0 =	simm.s32 @p0 $0x1  }
0x13: {  	[smem:$0x3FB8] =	sst s0;
	s0 =	simm.s32 @!p1 $0x0  }
0x14: {  	s2 =	sld [smem:$0x3F9C];
	s0 =	simm.s32 @p1 $0x1  }
0x15: {  	[smem:$0x3FB9] =	sst s0;
	s0 =	simm.s32 @!p2 $0x0  }
0x16: {  	s3 =	sld [smem:$0x3FDB];
	s0 =	simm.s32 @p2 $0x1  }
0x17: {  	s4 =	simm.s32 $0x1BF5;
	[smem:$0x3FBB] =	sst s0  }
0x18: {  	s0 =	sld [smem:$0x3F9E];
	_ =	swait.ge [sflag:s4], $0x0  }
0x19: {  	s7 =	sld [smem:$0x3F9F]  }
0x1a: {  	s8 =	sadd.s32 $0xFFFFE003, lr  }
0x1b: {  	s9 =	sadd.s32 $0xFFFFFEF7, lr;
	s5 =	simm.s32 $0xFFFFFFFF;
	p2 =	slt.u32 s8, $0xFFFFF086  }
0x1c: {  	p1 =	slt.u32 s9, $0xF7A;
	s5 =	simm.s32 @!p2 $0x0  }
0x1d: {  	s5 =	simm.s32 @p1 $0x1;
	p0 =	seq.s32 s7, s2  }
0x1e: {  	s7 =	smul.u32 @!p0 $0xF7A, s2;
	p2 =	seq.s32 @!p0 s5, $0x0  }
0x1f: {  	s9 =	smul.u32 $0xF7A, s1;
	s8 =	simm.s32 @!p0 $0x1BF5;
	p2 =	por !p2, p0  }
0x20: {  	[sflag:s8] =	ssyncset.s32 @!p0 $0xFFFFF086;
	s6 =	sadd.s32 @!p0 s3, s7;
	s7 =	simm.s32 @!p0 $0x108  }
0x21: {  	s3 =	sadd.s32 s3, s9;
	s6 =	sadd.s32 @!p0 $0x88, s6;
	s7 =	simm.s32 @p2 $0x1082  }
0x22: {  	[simem:s7], [sflag:s8] =	dma.local @!p0 [hbm:s6], $0xF7A  }
0x23: {  	s9 =	sor.u32 $0xD0000000, s2;
	s6 =	simm.s32 $0x108;
	_ =	swait.ge @!p0 [sflag:s8], $0x0  }
0x24: {  	s3 =	sadd.s32 $0x88, s3;
	s6 =	simm.s32 @!p1 $0x1082;
	[sflag:s4] =	ssyncset.s32 $0xFFFFF086  }
0x25: {  	[simem:s6], [sflag:s4] =	dma.local [hbm:s3], $0xF7A  }
0x26: {  	[smem:$0x3F9F] =	sst s1;
	(tag) =	ssettag s2;
	_ =	strace s9  }
0x27: {  	s1 =	sld [smem:$0x3FAF]  }
0x28: {  	s2 =	sld [smem:$0x3FB0]  }
0x29: {  	s4 =	sld [smem:$0x3FB2]  }
0x2a: {  	p0 =	seq.s32 s5, $0x0;
	s5 =	sld [smem:$0x3FB3]  }
0x2b: {  	s6 =	sld [smem:$0x3FB4]  }
0x2c: {  	s7 =	sld [smem:$0x3FB5]  }
0x2d: {  	s3 =	simm.s32 $0x108;
	s8 =	sld [smem:$0x3FB6]  }
0x2e: {  	s3 =	simm.s32 @!p0 $0x1082;
	s9 =	sld [smem:$0x3FB7]  }
0x2f: {  	lr =	sadd.s32 s0, s3;
	s0 =	sld [smem:$0x3FAE]  }
0x30: {  	s3 =	sld [smem:$0x3FB1]  }
0x31: {  	[smem:$0x3FBA] =	sst s10  }
0x32: {  	s10 =	sld [smem:$0x3FB8];
	_ =	sdelay $0x3  }
0x33: {  	p0 =	seq.s32 s10, $0x1;
	s10 =	sld [smem:$0x3FBA];
	_ =	sdelay $0x3  }
0x34: {  	[smem:$0x3FBA] =	sst s10  }
0x35: {  	s10 =	sld [smem:$0x3FB9];
	_ =	sdelay $0x3  }
0x36: {  	p1 =	seq.s32 s10, $0x1;
	s10 =	sld [smem:$0x3FBA];
	_ =	sdelay $0x3  }
0x37: {  	[smem:$0x3FBA] =	sst s10  }
0x38: {  	s10 =	sld [smem:$0x3FBB]  }
0x39: {  	_ = 	snop;
	(pc) =	sbr.ind lr, $3  }
0x3a: {  	_ = 	snop  }
0x3b: {  	_ = 	snop  }
0x3c: {  	p2 =	seq.s32 s10, $0x1;
	s10 =	sld [smem:$0x3FBA]  }
0x3d: {  	_ =	shalt  }
0x3e: {  	_ =	shalt  }
0x3f: {  	_ =	shalt  }
0x40: {  	_ =	shalt  }
0x41: {  	_ =	shalt  }
0x42: {  	_ =	shalt  }
0x43: {  	_ =	shalt  }
0x44: {  	_ =	shalt  }
0x45: {  	_ =	shalt  }
0x46: {  	_ =	shalt  }
0x47: {  	_ =	shalt  }
0x48: {  	_ =	shalt  }
0x49: {  	_ =	shalt  }
0x4a: {  	_ =	shalt  }
0x4b: {  	_ =	shalt  }
0x4c: {  	_ =	shalt  }
0x4d: {  	_ =	shalt  }
0x4e: {  	_ =	shalt  }
0x4f: {  	_ =	shalt  }
0x50: {  	_ =	shalt  }
0x51: {  	_ =	shalt  }
0x52: {  	_ =	shalt  }
0x53: {  	_ =	shalt  }
0x54: {  	_ =	shalt  }
0x55: {  	_ =	shalt  }
0x56: {  	_ =	shalt  }
0x57: {  	_ =	shalt  }
0x58: {  	_ =	shalt  }
0x59: {  	_ =	shalt  }
0x5a: {  	_ =	shalt  }
0x5b: {  	_ =	shalt  }
0x5c: {  	_ =	shalt  }
0x5d: {  	_ =	shalt  }
0x5e: {  	_ =	shalt  }
0x5f: {  	_ =	shalt  }
0x60: {  	_ =	shalt  }
0x61: {  	_ =	shalt  }
0x62: {  	_ =	shalt  }
0x63: {  	_ =	shalt  }
0x64: {  	_ =	shalt  }
0x65: {  	_ =	shalt  }
0x66: {  	_ =	shalt  }
0x67: {  	_ =	shalt  }
0x68: {  	_ =	shalt  }
0x69: {  	_ =	shalt  }
0x6a: {  	_ =	shalt  }
0x6b: {  	_ =	shalt  }
0x6c: {  	_ =	shalt  }
0x6d: {  	_ =	shalt  }
0x6e: {  	_ =	shalt  }
0x6f: {  	_ =	shalt  }
0x70: {  	_ =	shalt  }
0x71: {  	_ =	shalt  }
0x72: {  	_ =	shalt  }
0x73: {  	_ =	shalt  }
0x74: {  	_ =	shalt  }
0x75: {  	_ =	shalt  }
0x76: {  	_ =	shalt  }
0x77: {  	_ =	shalt  }
0x78: {  	_ =	shalt  }
0x79: {  	_ =	shalt  }
0x7a: {  	_ =	shalt  }
0x7b: {  	_ =	shalt  }
0x7c: {  	_ =	shalt  }
0x7d: {  	_ =	shalt  }
0x7e: {  	_ =	shalt  }
0x7f: {  	_ =	shalt  }
0x80: {  	_ =	shalt  }
0x81: {  	_ =	shalt  }
0x82: {  	_ =	shalt  }
0x83: {  	_ =	shalt  }
0x84: {  	_ =	shalt  }
0x85: {  	_ =	shalt  }
0x86: {  	_ =	shalt  }
0x87: {  	_ =	shalt  }
.Lfunc_end0:
.L_simem_size_0:
called_computation.1_lowered:
.L_overlay_start_0:
0x88: {  	s2 =	sld [smem:$0x3FD9]  }
0x89: {  	s3 =	sld [smem:$0x3FFE];
	_ =	sdelay $0x1  }
0x8a: {  	s1 =	srdreg.scid  }
0x8b: {  	s0 =	sand.u32 $0x1, s1  }
0x8c: {  	s17 =	sshll.u32 s0, $0xA;
	s2 =	sadd.s32 s3, s2  }
0x8d: {  	s2 =	sadd.s32 s2, s17  }
0x8e: {  	[smem:$0x3FC6] =	sst s2  }
0x8f: {  	_ = 	snop  }
0x90: {  	s2 =	sld [smem:$0x3FD0];
	(tm) =	ssettm $0x1  }
0x91: {  	s18 =	sld [smem:$0x3FFB];
	_ =	sdelay $0x3  }
0x92: {  	_ =	strace s18  }
0x93: {  	s3 =	sld [smem:$0x3FFC];
	_ =	sdelay $0x3  }
0x94: {  	_ =	strace s3  }
0x95: {  	s3 =	sld [smem:$0x3FFD];
	_ =	sdelay $0x3  }
0x96: {  	_ =	strace s3  }
0x97: {  	_ =	strace $0x8FFFFFFF  }
0x98: {  	s19 =	sld [smem:$0x3FDB];
	_ =	sdelay $0x1  }
0x99: {  	s4 =	simm.s32 $_scs_section_size  }
0x9a: {  	s5 =	simm.s32 $_size__tile_overlayer_lowered;
	s6 =	simm.s32 $_tile_overlayer_lowered  }
0x9b: {  	s22 =	simm.s32 $0x1BFF;
	s21 =	sshll.u32 s6, $0x1;
	s3 =	sadd.s32 s4, s19  }
0x9c: {  	s7 =	simm.s32 $0x0;
	s20 =	sshll.u32 s5, $0x1;
	s5 =	sadd.s32 s21, s3  }
0x9d: {  	[timem:s7], [sflag:s22] =	dma.local [hbm:s5], s20  }
0x9e: {  	_ =	swait.ge [sflag:s22], s20  }
0x9f: {  	s4 =	ssub.s32 $0x0, s20;
	[sflag:s22] =	ssyncset.done $0x0  }
0xa0: {  	[sflag:s22] =	ssyncadd.s32 s4;
	_ =	sdelay $0x1  }
0xa1: {  	s23 =	simm.s32 $0x1B8B  }
0xa2: {  	_ =	swait.ge [sflag:s23], $0x1  }
0xa3: {  	[sflag:s23] =	ssyncset.done $0x0  }
0xa4: {  	s25 =	simm.s32 $0x1B8E;
	s24 =	sld [smem:$0x3FFE];
	[sflag:s23] =	ssyncadd.s32 $0xFFFFFFFF  }
0xa5: {  	s26 =	simm.s32 $execute0_lowered;
	[smem:$0x3FD2] =	sst s25  }
0xa6: {  	s5 =	sshll.u32 s26, $0x1;
	_ =	strace $0x80000046;
	[dreg:$0x1] =	wrdreg $0xFFFFFFFF  }
0xa7: {  	s28 =	simm.s32 $_size_execute0_lowered;
	s3 =	sadd.s32 s3, s5;
	[dreg:$0x0] =	wrdreg $0x0  }
0xa8: {  	s5 =	sshll.u32 s28, $0x1;
	[dreg:$0x2] =	wrdreg s3  }
0xa9: {  	[dreg:$0x3] =	wrdreg s5  }
0xaa: {  	[dreg:$0x4] =	wrdreg $0xC0  }
0xab: {  	_ =	task [dreg:s7], $0x5FFFF  }
0xac: {  	[dreg:$0x1] =	wrdreg $0xFFFFFFFF  }
0xad: {  	[dreg:$0x0] =	wrdreg $0x60  }
0xae: {  	[dreg:$0x2] =	wrdreg s24  }
0xaf: {  	[dreg:$0x3] =	wrdreg s2  }
0xb0: {  	[dreg:$0x4] =	wrdreg $0x9  }
0xb1: {  	_ =	task.clear_ibuf [dreg:s7], $0x5FFFF;
	_ =	strace $0x90000046  }
0xb2: {  	s29 =	simm.s32 $0x9;
	_ =	strace $0x80000048  }
0xb3: {  	_ =	swait.ge [sflag:s29], $0x1  }
0xb4: {  	[sflag:s29] =	ssyncadd.s32 $0xFFFFFFFF  }
0xb5: {  	_ =	strace $0x90000048  }
0xb6: {  	_ =	sfence  }
0xb7: {  	s30 =	sld [smem:$0x0];
	_ =	sdelay $0x2  }
0xb8: {  	s31 =	sshll.u32 s1, $0xD;
	s1 =	sshrl.u32 s1, $0x2  }
0xb9: {  	s3 =	sand.u32 $0x4000, s31;
	s1 =	sadd.s32 s1, s30  }
0xba: {  	s0 =	sor.u32 s3, s0;
	s1 =	sshll.u32 s1, $0x11  }
0xbb: {  	s0 =	sor.u32 s1, s0  }
0xbc: {  	s0 =	sadd.s32 $0x8F2B, s0  }
0xbd: {  	[sflag:s0] =	ssyncadd.remote.s32 $0x1  }
0xbe: {  	_ =	sfence.sel $0xFFFF  }
0xbf: {  	[dreg:$0x0] =	wrdreg $0xFFFFFFFF;
	(pc) =	sbr.abs _section_cstart, $3  }
0xc0: {  	[dreg:$0x1] =	wrdreg $0xFFFFFFFF  }
0xc1: {  	_ =	task.clear_ibuf [dreg:s7], $0x2FFFF;
	_ =	strace $0x9FFFFFFF  }
0xc2: {  	(tm) =	ssettm $0x7FFFFFFF  }
0xc3: {  	_ =	shalt  }
tec
execute0_lowered:
.L_overlay_start_1:
0x0: {  	(tag) =	ssettag $0x1  }
0x1: {  	s1 =	srdreg.scid;
	s4 =	rddreg [dreg:$0x0]  }
0x2: {  	s0 =	stileid.u32;
	s2 =	rddreg [dreg:$0x1]  }
0x3: {  	s3 =	simm.s32 $0x0;
	s10 =	simm.s32 $0x5;
	s11 =	simm.s32 $0x32  }
0x4: {  	s12 =	simm.s32 $0x7000;
	s13 =	simm.s32 $0xAB60;
	s14 =	simm.s32 $0x1  }
0x5: {  	s15 =	simm.s32 $0xE6C0;
	s16 =	simm.s32 $0x3;
	s17 =	simm.s32 $0x2  }
0x6: {  	s18 =	simm.s32 $0x12220;
	s5 =	sand.u32 $0x1, s1;
	s31 =	sshll.u32 s0, $0x1  }
0x7: {  	s19 =	simm.s32 $0x4;
	s20 =	simm.s32 $0x6FC8;
	s6 =	sor.u32 s5, s31  }
0x8: {  	s21 =	simm.s32 $0x0;
	s5 =	ssub.s32 $0x2, s5;
	s7 =	smul.u32 $0xE00, s6  }
0x9: {  	[smem:$0x7FF] =	sst s3;
	s8 =	smul.u32 $0x76C000, s6;
	s9 =	sshrl.u32 s5, $0x1  }
0xa: {  	s1 =	rddreg [dreg:$0x2];
	_ =	strace $0x80000047;
	s9 =	ssub.s32 s5, s9  }
0xb: {  	s7 =	sadd.s32 s7, s4;
	s4 =	sadd.s32 $0x1C800, s4;
	s8 =	sshrl.u32 s8, $0x3  }
0xc: {  	s5 =	sshll.u32 s6, $0x7;
	s9 =	smax.u32 s9, $0x1;
	s8 =	sadd.s32 s4, s8  }
0xd: {  	s6 =	sadd.s32 $0x800, s7;
	s7 =	sadd.s32 $0xEC928, s8;
	s8 =	sadd.s32 $0xED094, s8  }
.LBB2_1:
0xe: {  	[tilespmem:s3], [sflag:$0x5] =	stream.linear.gather [hbm4b:s6+s3], $0x7000, $0x38;
	[tilespmem:$0x15D80] =	vst v63  }
0xf: {  	_ =	swait.ge [sflag:s10], $0x7000  }
0x10: {  	[sflag:s10] =	ssyncset.done $0x0  }
0x11: {  	s22 =	simm.s32 $0x0;
	[sflag:s10] =	ssyncadd.s32 $0xFFFF9000  }
0x12: {  	[tilespmem:s12], [sflag:$0x1] =	stream.indirect.gather [hbm4b:s2+s11], $0x130, s3, s11, $0xb8;
	[tilespmem:$0x15D80] =	vst v63  }
.LBB2_2:
0x13: {  	s23 =	sshllo.u32 s22, $0x1  }
0x14: {  	s24 =	smul.u32 $0xE0, s23;
	_ =	sdelay $0x1  }
0x15: {  	s24 =	sshra.s32 s24, $0x2  }
0x16: {  	[tilespmem:s13], [sflag:$0x2] =	stream.indirect.gather [hbm4b:s2+s11], $0x130, s24, s11, $0xb8;
	[tilespmem:$0x15D80] =	vst v63  }
0x17: {  	_ =	swait.ge [sflag:s14], $0x3B60  }
0x18: {  	[sflag:s14] =	ssyncset.done $0x0  }
0x19: {  	s24 =	simm.s32 $0x0;
	[sflag:s14] =	ssyncadd.s32 $0xFFFFC4A0  }
0x1a: {  	v0 =	vld [tilespmem:s24+$0x7110]  }
0x1b: {  	v2 =	vld [tilespmem:s24+$0x7000]  }
0x1c: {  	v3 =	vld [tilespmem:s24+$0x7010]  }
0x1d: {  	v4 =	vld [tilespmem:s24+$0x7020]  }
0x1e: {  	v5 =	vld [tilespmem:s24+$0x7030]  }
0x1f: {  	v1 =	vld [tilespmem:s24+$0x711C];
	[tilespmem:s24+$0xE7D0] =	vst v0  }
0x20: {  	v6 =	vld [tilespmem:s24+$0x70B0];
	[tilespmem:s24+$0xE6C0] =	vst v2  }
0x21: {  	v0 =	vld [tilespmem:s24+$0x7040];
	[tilespmem:s24+$0xE6D0] =	vst v3  }
0x22: {  	v2 =	vld [tilespmem:s24+$0x7060];
	[tilespmem:s24+$0xE6E0] =	vst v4  }
0x23: {  	v3 =	vld [tilespmem:s24+$0x7070];
	[tilespmem:s24+$0xE6F0] =	vst v5  }
0x24: {  	[tilespmem:s24+$0xE7DC] =	vst v1;
	v1 =	vld [tilespmem:s24+$0x7050]  }
0x25: {  	v4 =	vld [tilespmem:s24+$0x7080];
	[tilespmem:s24+$0xE770] =	vst v6  }
0x26: {  	v5 =	vld [tilespmem:s24+$0x70A0];
	[tilespmem:s24+$0xE700] =	vst v0  }
0x27: {  	v0 =	vld [tilespmem:s24+$0x7090];
	[tilespmem:s24+$0xE720] =	vst v2  }
0x28: {  	v7 =	vld [tilespmem:s24+$0x70C0];
	[tilespmem:s24+$0xE730] =	vst v3  }
0x29: {  	[tilespmem:s24+$0xE710] =	vst v1;
	v1 =	vld [tilespmem:s24+$0x70D0]  }
0x2a: {  	[tilespmem:s24+$0xE740] =	vst v4;
	v2 =	vld [tilespmem:s24+$0x70E0]  }
0x2b: {  	[tilespmem:s24+$0xE760] =	vst v5;
	v3 =	vld [tilespmem:s24+$0x70F0]  }
0x2c: {  	s26 =	simm.s32 $0x130;
	v4 =	vld [tilespmem:s24+$0x7100];
	[tilespmem:s24+$0xE750] =	vst v0  }
0x2d: {  	s25 =	sshll.u32 s22, $0x1;
	s28 =	simm.s32 $0x980;
	v0 =	vld [tilespmem:s26+$0x7110];
	[tilespmem:s24+$0xE780] =	vst v7  }
.LBB2_3:
0x2e: {  	p0 =	sne.s32 s28, $0xE8C0;
	v5 =	vld [tilespmem:s26+$0x711C];
	[tilespmem:s24+$0xE790] =	vst v1  }
0x2f: {  	v1 =	vld [tilespmem:s26+$0x7000];
	[tilespmem:s24+$0xE7A0] =	vst v2  }
0x30: {  	v2 =	vld [tilespmem:s26+$0x7010];
	[tilespmem:s24+$0xE7B0] =	vst v3  }
0x31: {  	v3 =	vld [tilespmem:s26+$0x7020];
	[tilespmem:s24+$0xE7C0] =	vst v4;
	s24 =	smov.u32 s26  }
0x32: {  	v4 =	vld [tilespmem:s24+$0x7030];
	[tilespmem:s24+$0xE7D0] =	vst v0  }
0x33: {  	v0 =	vld [tilespmem:s24+$0x7040];
	[tilespmem:s24+$0xE7DC] =	vst v5  }
0x34: {  	[tilespmem:s24+$0xE6C0] =	vst v1;
	v1 =	vld [tilespmem:s24+$0x7050]  }
0x35: {  	[tilespmem:s24+$0xE6D0] =	vst v2;
	v2 =	vld [tilespmem:s24+$0x7060]  }
0x36: {  	[tilespmem:s24+$0xE6E0] =	vst v3;
	v3 =	vld [tilespmem:s24+$0x7070]  }
0x37: {  	[tilespmem:s24+$0xE6F0] =	vst v4;
	v4 =	vld [tilespmem:s24+$0x7080]  }
0x38: {  	[tilespmem:s24+$0xE700] =	vst v0;
	v0 =	vld [tilespmem:s24+$0x7090]  }
0x39: {  	[tilespmem:s24+$0xE710] =	vst v1;
	v5 =	vld [tilespmem:s24+$0x70A0]  }
0x3a: {  	[tilespmem:s24+$0xE720] =	vst v2;
	v6 =	vld [tilespmem:s24+$0x70B0]  }
0x3b: {  	[tilespmem:s24+$0xE730] =	vst v3;
	v7 =	vld [tilespmem:s24+$0x70C0]  }
.Ltmp0:
0x3c: {  	[tilespmem:s24+$0xE740] =	vst v4;
	v1 =	vld [tilespmem:s24+$0x70D0];
	(pc) =	sbr.rel @p0 .LBB2_3-.Ltmp0, $4  }
0x3d: {  	[tilespmem:s24+$0xE750] =	vst v0;
	v2 =	vld [tilespmem:s24+$0x70E0]  }
0x3e: {  	[tilespmem:s24+$0xE760] =	vst v5;
	v3 =	vld [tilespmem:s24+$0x70F0]  }
0x3f: {  	s26 =	sshra.s32 s28, $0x2;
	[tilespmem:s24+$0xE770] =	vst v6;
	v4 =	vld [tilespmem:s24+$0x7100]  }
0x40: {  	s28 =	sadd.s32 $0x4C0, s28;
	v0 =	vld [tilespmem:s26+$0x7110];
	[tilespmem:s24+$0xE780] =	vst v7  }
0x41: {  	v5 =	vld [tilespmem:s26+$0x711C];
	[tilespmem:s24+$0xE790] =	vst v1  }
0x42: {  	v1 =	vld [tilespmem:s26+$0x7000];
	[tilespmem:s24+$0xE7A0] =	vst v2  }
0x43: {  	v2 =	vld [tilespmem:s26+$0x7010];
	[tilespmem:s24+$0xE7B0] =	vst v3  }
0x44: {  	v3 =	vld [tilespmem:s26+$0x7020];
	[tilespmem:s24+$0xE7C0] =	vst v4  }
0x45: {  	v4 =	vld [tilespmem:s26+$0x7030];
	[tilespmem:s26+$0xE7D0] =	vst v0  }
0x46: {  	v0 =	vld [tilespmem:s26+$0x7040];
	[tilespmem:s26+$0xE7DC] =	vst v5  }
0x47: {  	[tilespmem:s26+$0xE6C0] =	vst v1;
	v1 =	vld [tilespmem:s26+$0x7050]  }
0x48: {  	[tilespmem:s26+$0xE6D0] =	vst v2;
	v2 =	vld [tilespmem:s26+$0x7060]  }
0x49: {  	[tilespmem:s26+$0xE6E0] =	vst v3;
	v3 =	vld [tilespmem:s26+$0x7070]  }
0x4a: {  	[tilespmem:s26+$0xE6F0] =	vst v4;
	v4 =	vld [tilespmem:s26+$0x7080]  }
0x4b: {  	[tilespmem:s26+$0xE700] =	vst v0;
	v0 =	vld [tilespmem:s26+$0x7090]  }
0x4c: {  	[tilespmem:s26+$0xE710] =	vst v1;
	v1 =	vld [tilespmem:s26+$0x70A0]  }
0x4d: {  	[tilespmem:s26+$0xE720] =	vst v2;
	v2 =	vld [tilespmem:s26+$0x70B0]  }
0x4e: {  	[tilespmem:s26+$0xE730] =	vst v3;
	v3 =	vld [tilespmem:s26+$0x70C0]  }
0x4f: {  	[tilespmem:s26+$0xE740] =	vst v4;
	v4 =	vld [tilespmem:s26+$0x70D0]  }
0x50: {  	[tilespmem:s26+$0xE750] =	vst v0;
	v0 =	vld [tilespmem:s26+$0x70E0]  }
0x51: {  	s29 =	sshrl.u32 s22, $0x1;
	s25 =	sand.u32 $0x2, s25;
	[tilespmem:s26+$0xE760] =	vst v1;
	v1 =	vld [tilespmem:s26+$0x70F0]  }
0x52: {  	s25 =	smul.u32 $0x3B60, s25;
	s24 =	sadd.s32 s5, s29;
	[tilespmem:s26+$0xE770] =	vst v2;
	v2 =	vld [tilespmem:s26+$0x7100]  }
0x53: {  	s24 =	smul.u32 $0xED80, s24;
	[tilespmem:s26+$0xE780] =	vst v3  }
0x54: {  	[tilespmem:s26+$0xE790] =	vst v4  }
0x55: {  	s25 =	sadd.s32 s25, s24;
	[tilespmem:s26+$0xE7A0] =	vst v0  }
0x56: {  	s25 =	sshrl.u32 s25, $0x3;
	[tilespmem:s26+$0xE7B0] =	vst v1  }
0x57: {  	s30 =	simm.s32 $0x0;
	s31 =	smul.u32 $0x1C0, s22;
	s25 =	sadd.s32 s4, s25;
	[tilespmem:s26+$0xE7C0] =	vst v2  }
0x58: {  	[hbm4b:s25+s30] =	stream.linear.scatter [tilespmem:s15], [sflag:$0x3], $0x3B60, $0x38;
	[tilespmem:$0x15D80] =	vst v63  }
0x59: {  	_ =	swait.ge [sflag:s16], $0x3B60  }
0x5a: {  	s25 =	sshra.s32 s31, $0x2;
	[sflag:s16] =	ssyncset.done $0x0  }
0x5b: {  	s25 =	sadd.s32 $0x70, s25;
	[sflag:s16] =	ssyncadd.s32 $0xFFFFC4A0  }
0x5c: {  	[tilespmem:s12], [sflag:$0x1] =	stream.indirect.gather [hbm4b:s2+s11], $0x130, s25, s11, $0xb8;
	[tilespmem:$0x15D80] =	vst v63  }
0x5d: {  	_ =	swait.ge [sflag:s17], $0x3B60  }
0x5e: {  	[sflag:s17] =	ssyncset.done $0x0  }
0x5f: {  	s25 =	simm.s32 $0x0;
	[sflag:s17] =	ssyncadd.s32 $0xFFFFC4A0  }
0x60: {  	v0 =	vld [tilespmem:s25+$0xAC70]  }
0x61: {  	v2 =	vld [tilespmem:s25+$0xAB60]  }
0x62: {  	v3 =	vld [tilespmem:s25+$0xAB70]  }
0x63: {  	v4 =	vld [tilespmem:s25+$0xAB80]  }
0x64: {  	v5 =	vld [tilespmem:s25+$0xAB90]  }
0x65: {  	v1 =	vld [tilespmem:s25+$0xAC7C];
	[tilespmem:s25+$0x12330] =	vst v0  }
0x66: {  	v6 =	vld [tilespmem:s25+$0xAC10];
	[tilespmem:s25+$0x12220] =	vst v2  }
0x67: {  	v0 =	vld [tilespmem:s25+$0xABA0];
	[tilespmem:s25+$0x12230] =	vst v3  }
0x68: {  	v2 =	vld [tilespmem:s25+$0xABC0];
	[tilespmem:s25+$0x12240] =	vst v4  }
0x69: {  	v3 =	vld [tilespmem:s25+$0xABD0];
	[tilespmem:s25+$0x12250] =	vst v5  }
0x6a: {  	[tilespmem:s25+$0x1233C] =	vst v1;
	v1 =	vld [tilespmem:s25+$0xABB0]  }
0x6b: {  	v4 =	vld [tilespmem:s25+$0xABE0];
	[tilespmem:s25+$0x122D0] =	vst v6  }
0x6c: {  	v5 =	vld [tilespmem:s25+$0xAC00];
	[tilespmem:s25+$0x12260] =	vst v0  }
0x6d: {  	v0 =	vld [tilespmem:s25+$0xABF0];
	[tilespmem:s25+$0x12280] =	vst v2  }
0x6e: {  	v7 =	vld [tilespmem:s25+$0xAC20];
	[tilespmem:s25+$0x12290] =	vst v3  }
0x6f: {  	[tilespmem:s25+$0x12270] =	vst v1;
	v1 =	vld [tilespmem:s25+$0xAC30]  }
0x70: {  	[tilespmem:s25+$0x122A0] =	vst v4;
	v2 =	vld [tilespmem:s25+$0xAC40]  }
0x71: {  	[tilespmem:s25+$0x122C0] =	vst v5;
	v3 =	vld [tilespmem:s25+$0xAC50]  }
0x72: {  	s26 =	simm.s32 $0x130;
	v4 =	vld [tilespmem:s25+$0xAC60];
	[tilespmem:s25+$0x122B0] =	vst v0  }
0x73: {  	s28 =	simm.s32 $0x980;
	v0 =	vld [tilespmem:s26+$0xAC70];
	[tilespmem:s25+$0x122E0] =	vst v7  }
.LBB2_5:
0x74: {  	p0 =	sne.s32 s28, $0xE8C0;
	v5 =	vld [tilespmem:s26+$0xAC7C];
	[tilespmem:s25+$0x122F0] =	vst v1  }
0x75: {  	v1 =	vld [tilespmem:s26+$0xAB60];
	[tilespmem:s25+$0x12300] =	vst v2  }
0x76: {  	v2 =	vld [tilespmem:s26+$0xAB70];
	[tilespmem:s25+$0x12310] =	vst v3  }
0x77: {  	v3 =	vld [tilespmem:s26+$0xAB80];
	[tilespmem:s25+$0x12320] =	vst v4;
	s25 =	smov.u32 s26  }
0x78: {  	v4 =	vld [tilespmem:s25+$0xAB90];
	[tilespmem:s25+$0x12330] =	vst v0  }
0x79: {  	v0 =	vld [tilespmem:s25+$0xABA0];
	[tilespmem:s25+$0x1233C] =	vst v5  }
0x7a: {  	[tilespmem:s25+$0x12220] =	vst v1;
	v1 =	vld [tilespmem:s25+$0xABB0]  }
0x7b: {  	[tilespmem:s25+$0x12230] =	vst v2;
	v2 =	vld [tilespmem:s25+$0xABC0]  }
0x7c: {  	[tilespmem:s25+$0x12240] =	vst v3;
	v3 =	vld [tilespmem:s25+$0xABD0]  }
0x7d: {  	[tilespmem:s25+$0x12250] =	vst v4;
	v4 =	vld [tilespmem:s25+$0xABE0]  }
0x7e: {  	[tilespmem:s25+$0x12260] =	vst v0;
	v0 =	vld [tilespmem:s25+$0xABF0]  }
0x7f: {  	[tilespmem:s25+$0x12270] =	vst v1;
	v5 =	vld [tilespmem:s25+$0xAC00]  }
0x80: {  	[tilespmem:s25+$0x12280] =	vst v2;
	v6 =	vld [tilespmem:s25+$0xAC10]  }
0x81: {  	[tilespmem:s25+$0x12290] =	vst v3;
	v7 =	vld [tilespmem:s25+$0xAC20]  }
.Ltmp1:
0x82: {  	[tilespmem:s25+$0x122A0] =	vst v4;
	v1 =	vld [tilespmem:s25+$0xAC30];
	(pc) =	sbr.rel @p0 .LBB2_5-.Ltmp1, $4  }
0x83: {  	[tilespmem:s25+$0x122B0] =	vst v0;
	v2 =	vld [tilespmem:s25+$0xAC40]  }
0x84: {  	[tilespmem:s25+$0x122C0] =	vst v5;
	v3 =	vld [tilespmem:s25+$0xAC50]  }
0x85: {  	s26 =	sshra.s32 s28, $0x2;
	[tilespmem:s25+$0x122D0] =	vst v6;
	v4 =	vld [tilespmem:s25+$0xAC60]  }
0x86: {  	s28 =	sadd.s32 $0x4C0, s28;
	v0 =	vld [tilespmem:s26+$0xAC70];
	[tilespmem:s25+$0x122E0] =	vst v7  }
0x87: {  	v5 =	vld [tilespmem:s26+$0xAC7C];
	[tilespmem:s25+$0x122F0] =	vst v1  }
0x88: {  	v1 =	vld [tilespmem:s26+$0xAB60];
	[tilespmem:s25+$0x12300] =	vst v2  }
0x89: {  	v2 =	vld [tilespmem:s26+$0xAB70];
	[tilespmem:s25+$0x12310] =	vst v3  }
0x8a: {  	v3 =	vld [tilespmem:s26+$0xAB80];
	[tilespmem:s25+$0x12320] =	vst v4  }
0x8b: {  	v4 =	vld [tilespmem:s26+$0xAB90];
	[tilespmem:s26+$0x12330] =	vst v0  }
0x8c: {  	v51 =	vld [tilespmem:s26+$0xABA0];
	[tilespmem:s26+$0x1233C] =	vst v5  }
0x8d: {  	v52 =	vld [tilespmem:s26+$0xABB0];
	[tilespmem:s26+$0x12220] =	vst v1  }
0x8e: {  	v53 =	vld [tilespmem:s26+$0xABC0];
	[tilespmem:s26+$0x12230] =	vst v2  }
0x8f: {  	v54 =	vld [tilespmem:s26+$0xABD0];
	[tilespmem:s26+$0x12240] =	vst v3  }
0x90: {  	v55 =	vld [tilespmem:s26+$0xABE0];
	[tilespmem:s26+$0x12250] =	vst v4  }
0x91: {  	v56 =	vld [tilespmem:s26+$0xABF0];
	[tilespmem:s26+$0x12260] =	vst v51  }
0x92: {  	v57 =	vld [tilespmem:s26+$0xAC00];
	[tilespmem:s26+$0x12270] =	vst v52  }
0x93: {  	v58 =	vld [tilespmem:s26+$0xAC10];
	[tilespmem:s26+$0x12280] =	vst v53  }
0x94: {  	v59 =	vld [tilespmem:s26+$0xAC20];
	[tilespmem:s26+$0x12290] =	vst v54  }
0x95: {  	v60 =	vld [tilespmem:s26+$0xAC30];
	[tilespmem:s26+$0x122A0] =	vst v55  }
0x96: {  	v61 =	vld [tilespmem:s26+$0xAC40];
	[tilespmem:s26+$0x122B0] =	vst v56  }
0x97: {  	v62 =	vld [tilespmem:s26+$0xAC50];
	[tilespmem:s26+$0x122C0] =	vst v57  }
0x98: {  	s23 =	sand.u32 $0x3, s23;
	v63 =	vld [tilespmem:s26+$0xAC60];
	[tilespmem:s26+$0x122D0] =	vst v58  }
0x99: {  	s23 =	smul.u32 $0x3B60, s23;
	[tilespmem:s26+$0x122E0] =	vst v59  }
0x9a: {  	[tilespmem:s26+$0x122F0] =	vst v60  }
0x9b: {  	s22 =	sadd.s32 $0x1, s22;
	s23 =	sadd.s32 s24, s23;
	[tilespmem:s26+$0x12300] =	vst v61  }
0x9c: {  	p0 =	sne.s32 s22, $0xFF;
	s23 =	sshrl.u32 s23, $0x3;
	[tilespmem:s26+$0x12310] =	vst v62  }
.Ltmp2:
0x9d: {  	s23 =	sadd.s32 s4, s23;
	[tilespmem:s26+$0x12320] =	vst v63;
	(pc) =	sbr.rel @p0 .LBB2_2-.Ltmp2, $4  }
0x9e: {  	[hbm4b:s23+s3] =	stream.linear.scatter [tilespmem:s18], [sflag:$0x4], $0x3B60, $0x38;
	[tilespmem:$0x15D80] =	vst v63  }
0x9f: {  	_ =	swait.ge [sflag:s19], $0x3B60  }
0xa0: {  	[sflag:s19] =	ssyncset.done $0x0  }
0xa1: {  	[sflag:s19] =	ssyncadd.s32 $0xFFFFC4A0  }
0xa2: {  	[tilespmem:s13], [sflag:$0x2] =	stream.indirect.gather [hbm4b:s2+s11], $0x130, s20, s11, $0xb8;
	[tilespmem:$0x15D80] =	vst v63  }
0xa3: {  	_ =	swait.ge [sflag:s14], $0x3B60  }
0xa4: {  	[sflag:s14] =	ssyncset.done $0x0  }
0xa5: {  	s22 =	simm.s32 $0x0;
	[sflag:s14] =	ssyncadd.s32 $0xFFFFC4A0  }
0xa6: {  	v0 =	vld [tilespmem:s22+$0x7110]  }
0xa7: {  	v2 =	vld [tilespmem:s22+$0x7000]  }
0xa8: {  	v3 =	vld [tilespmem:s22+$0x7010]  }
0xa9: {  	v4 =	vld [tilespmem:s22+$0x7020]  }
0xaa: {  	v5 =	vld [tilespmem:s22+$0x7030]  }
0xab: {  	v1 =	vld [tilespmem:s22+$0x711C];
	[tilespmem:s22+$0xE7D0] =	vst v0  }
0xac: {  	v6 =	vld [tilespmem:s22+$0x70B0];
	[tilespmem:s22+$0xE6C0] =	vst v2  }
0xad: {  	v0 =	vld [tilespmem:s22+$0x7040];
	[tilespmem:s22+$0xE6D0] =	vst v3  }
0xae: {  	v2 =	vld [tilespmem:s22+$0x7060];
	[tilespmem:s22+$0xE6E0] =	vst v4  }
0xaf: {  	v3 =	vld [tilespmem:s22+$0x7070];
	[tilespmem:s22+$0xE6F0] =	vst v5  }
0xb0: {  	[tilespmem:s22+$0xE7DC] =	vst v1;
	v1 =	vld [tilespmem:s22+$0x7050]  }
0xb1: {  	v4 =	vld [tilespmem:s22+$0x7080];
	[tilespmem:s22+$0xE770] =	vst v6  }
0xb2: {  	v5 =	vld [tilespmem:s22+$0x70A0];
	[tilespmem:s22+$0xE700] =	vst v0  }
0xb3: {  	v0 =	vld [tilespmem:s22+$0x7090];
	[tilespmem:s22+$0xE720] =	vst v2  }
0xb4: {  	v7 =	vld [tilespmem:s22+$0x70C0];
	[tilespmem:s22+$0xE730] =	vst v3  }
0xb5: {  	[tilespmem:s22+$0xE710] =	vst v1;
	v1 =	vld [tilespmem:s22+$0x70D0]  }
0xb6: {  	[tilespmem:s22+$0xE740] =	vst v4;
	v2 =	vld [tilespmem:s22+$0x70E0]  }
0xb7: {  	[tilespmem:s22+$0xE760] =	vst v5;
	v3 =	vld [tilespmem:s22+$0x70F0]  }
0xb8: {  	s23 =	simm.s32 $0x130;
	v4 =	vld [tilespmem:s22+$0x7100];
	[tilespmem:s22+$0xE750] =	vst v0  }
0xb9: {  	s24 =	simm.s32 $0x980;
	v0 =	vld [tilespmem:s23+$0x7110];
	[tilespmem:s22+$0xE780] =	vst v7  }
.LBB2_8:
0xba: {  	p0 =	sne.s32 s24, $0xE8C0;
	v5 =	vld [tilespmem:s23+$0x711C];
	[tilespmem:s22+$0xE790] =	vst v1  }
0xbb: {  	v1 =	vld [tilespmem:s23+$0x7000];
	[tilespmem:s22+$0xE7A0] =	vst v2  }
0xbc: {  	v2 =	vld [tilespmem:s23+$0x7010];
	[tilespmem:s22+$0xE7B0] =	vst v3  }
0xbd: {  	v3 =	vld [tilespmem:s23+$0x7020];
	[tilespmem:s22+$0xE7C0] =	vst v4;
	s22 =	smov.u32 s23  }
0xbe: {  	v4 =	vld [tilespmem:s22+$0x7030];
	[tilespmem:s22+$0xE7D0] =	vst v0  }
0xbf: {  	v0 =	vld [tilespmem:s22+$0x7040];
	[tilespmem:s22+$0xE7DC] =	vst v5  }
0xc0: {  	[tilespmem:s22+$0xE6C0] =	vst v1;
	v1 =	vld [tilespmem:s22+$0x7050]  }
0xc1: {  	[tilespmem:s22+$0xE6D0] =	vst v2;
	v2 =	vld [tilespmem:s22+$0x7060]  }
0xc2: {  	[tilespmem:s22+$0xE6E0] =	vst v3;
	v3 =	vld [tilespmem:s22+$0x7070]  }
0xc3: {  	[tilespmem:s22+$0xE6F0] =	vst v4;
	v4 =	vld [tilespmem:s22+$0x7080]  }
0xc4: {  	[tilespmem:s22+$0xE700] =	vst v0;
	v0 =	vld [tilespmem:s22+$0x7090]  }
0xc5: {  	[tilespmem:s22+$0xE710] =	vst v1;
	v5 =	vld [tilespmem:s22+$0x70A0]  }
0xc6: {  	[tilespmem:s22+$0xE720] =	vst v2;
	v6 =	vld [tilespmem:s22+$0x70B0]  }
0xc7: {  	[tilespmem:s22+$0xE730] =	vst v3;
	v7 =	vld [tilespmem:s22+$0x70C0]  }
.Ltmp3:
0xc8: {  	[tilespmem:s22+$0xE740] =	vst v4;
	v1 =	vld [tilespmem:s22+$0x70D0];
	(pc) =	sbr.rel @p0 .LBB2_8-.Ltmp3, $4  }
0xc9: {  	[tilespmem:s22+$0xE750] =	vst v0;
	v2 =	vld [tilespmem:s22+$0x70E0]  }
0xca: {  	[tilespmem:s22+$0xE760] =	vst v5;
	v3 =	vld [tilespmem:s22+$0x70F0]  }
0xcb: {  	s23 =	sshra.s32 s24, $0x2;
	[tilespmem:s22+$0xE770] =	vst v6;
	v4 =	vld [tilespmem:s22+$0x7100]  }
0xcc: {  	s24 =	sadd.s32 $0x4C0, s24;
	v0 =	vld [tilespmem:s23+$0x7110];
	[tilespmem:s22+$0xE780] =	vst v7  }
0xcd: {  	v5 =	vld [tilespmem:s23+$0x711C];
	[tilespmem:s22+$0xE790] =	vst v1  }
0xce: {  	v1 =	vld [tilespmem:s23+$0x7000];
	[tilespmem:s22+$0xE7A0] =	vst v2  }
0xcf: {  	v2 =	vld [tilespmem:s23+$0x7010];
	[tilespmem:s22+$0xE7B0] =	vst v3  }
0xd0: {  	v3 =	vld [tilespmem:s23+$0x7020];
	[tilespmem:s22+$0xE7C0] =	vst v4  }
0xd1: {  	v4 =	vld [tilespmem:s23+$0x7030];
	[tilespmem:s23+$0xE7D0] =	vst v0  }
0xd2: {  	v0 =	vld [tilespmem:s23+$0x7040];
	[tilespmem:s23+$0xE7DC] =	vst v5  }
0xd3: {  	[tilespmem:s23+$0xE6C0] =	vst v1;
	v1 =	vld [tilespmem:s23+$0x7050]  }
0xd4: {  	[tilespmem:s23+$0xE6D0] =	vst v2;
	v2 =	vld [tilespmem:s23+$0x7060]  }
0xd5: {  	[tilespmem:s23+$0xE6E0] =	vst v3;
	v3 =	vld [tilespmem:s23+$0x7070]  }
0xd6: {  	[tilespmem:s23+$0xE6F0] =	vst v4;
	v4 =	vld [tilespmem:s23+$0x7080]  }
0xd7: {  	[tilespmem:s23+$0xE700] =	vst v0;
	v0 =	vld [tilespmem:s23+$0x7090]  }
0xd8: {  	[tilespmem:s23+$0xE710] =	vst v1;
	v1 =	vld [tilespmem:s23+$0x70A0]  }
0xd9: {  	[tilespmem:s23+$0xE720] =	vst v2;
	v2 =	vld [tilespmem:s23+$0x70B0]  }
0xda: {  	[tilespmem:s23+$0xE730] =	vst v3;
	v3 =	vld [tilespmem:s23+$0x70C0]  }
0xdb: {  	[tilespmem:s23+$0xE740] =	vst v4;
	v4 =	vld [tilespmem:s23+$0x70D0]  }
0xdc: {  	[tilespmem:s23+$0xE750] =	vst v0;
	v0 =	vld [tilespmem:s23+$0x70E0]  }
0xdd: {  	[tilespmem:s23+$0xE760] =	vst v1;
	v1 =	vld [tilespmem:s23+$0x70F0]  }
0xde: {  	[tilespmem:s23+$0xE770] =	vst v2;
	v2 =	vld [tilespmem:s23+$0x7100]  }
0xdf: {  	[tilespmem:s23+$0xE780] =	vst v3  }
0xe0: {  	[tilespmem:s23+$0xE790] =	vst v4  }
0xe1: {  	[tilespmem:s23+$0xE7A0] =	vst v0  }
0xe2: {  	[tilespmem:s23+$0xE7B0] =	vst v1  }
0xe3: {  	s31 =	simm.s32 $0x0;
	[tilespmem:s23+$0xE7C0] =	vst v2  }
0xe4: {  	[hbm4b:s7+s31] =	stream.linear.scatter [tilespmem:s15], [sflag:$0x3], $0x3B60, $0x38;
	[tilespmem:$0x15D80] =	vst v63  }
0xe5: {  	_ =	swait.ge [sflag:s16], $0x3B60  }
0xe6: {  	[sflag:s16] =	ssyncset.done $0x0  }
0xe7: {  	[sflag:s16] =	ssyncadd.s32 $0xFFFFC4A0  }
0xe8: {  	_ =	swait.ge [sflag:s17], $0x3B60  }
0xe9: {  	[sflag:s17] =	ssyncset.done $0x0  }
0xea: {  	s22 =	simm.s32 $0x0;
	[sflag:s17] =	ssyncadd.s32 $0xFFFFC4A0  }
0xeb: {  	v0 =	vld [tilespmem:s22+$0xAC70]  }
0xec: {  	v2 =	vld [tilespmem:s22+$0xAB60]  }
0xed: {  	v3 =	vld [tilespmem:s22+$0xAB70]  }
0xee: {  	v4 =	vld [tilespmem:s22+$0xAB80]  }
0xef: {  	v5 =	vld [tilespmem:s22+$0xAB90]  }
0xf0: {  	v1 =	vld [tilespmem:s22+$0xAC7C];
	[tilespmem:s22+$0x12330] =	vst v0  }
0xf1: {  	v6 =	vld [tilespmem:s22+$0xAC10];
	[tilespmem:s22+$0x12220] =	vst v2  }
0xf2: {  	v0 =	vld [tilespmem:s22+$0xABA0];
	[tilespmem:s22+$0x12230] =	vst v3  }
0xf3: {  	v2 =	vld [tilespmem:s22+$0xABC0];
	[tilespmem:s22+$0x12240] =	vst v4  }
0xf4: {  	v3 =	vld [tilespmem:s22+$0xABD0];
	[tilespmem:s22+$0x12250] =	vst v5  }
0xf5: {  	[tilespmem:s22+$0x1233C] =	vst v1;
	v1 =	vld [tilespmem:s22+$0xABB0]  }
0xf6: {  	v4 =	vld [tilespmem:s22+$0xABE0];
	[tilespmem:s22+$0x122D0] =	vst v6  }
0xf7: {  	v5 =	vld [tilespmem:s22+$0xAC00];
	[tilespmem:s22+$0x12260] =	vst v0  }
0xf8: {  	v0 =	vld [tilespmem:s22+$0xABF0];
	[tilespmem:s22+$0x12280] =	vst v2  }
0xf9: {  	v7 =	vld [tilespmem:s22+$0xAC20];
	[tilespmem:s22+$0x12290] =	vst v3  }
0xfa: {  	[tilespmem:s22+$0x12270] =	vst v1;
	v1 =	vld [tilespmem:s22+$0xAC30]  }
0xfb: {  	[tilespmem:s22+$0x122A0] =	vst v4;
	v2 =	vld [tilespmem:s22+$0xAC40]  }
0xfc: {  	[tilespmem:s22+$0x122C0] =	vst v5;
	v3 =	vld [tilespmem:s22+$0xAC50]  }
0xfd: {  	s23 =	simm.s32 $0x130;
	v4 =	vld [tilespmem:s22+$0xAC60];
	[tilespmem:s22+$0x122B0] =	vst v0  }
0xfe: {  	s24 =	simm.s32 $0x980;
	v0 =	vld [tilespmem:s23+$0xAC70];
	[tilespmem:s22+$0x122E0] =	vst v7  }
.LBB2_10:
0xff: {  	p0 =	sne.s32 s24, $0xE8C0;
	v5 =	vld [tilespmem:s23+$0xAC7C];
	[tilespmem:s22+$0x122F0] =	vst v1  }
0x100: {  	v1 =	vld [tilespmem:s23+$0xAB60];
	[tilespmem:s22+$0x12300] =	vst v2  }
0x101: {  	v2 =	vld [tilespmem:s23+$0xAB70];
	[tilespmem:s22+$0x12310] =	vst v3  }
0x102: {  	v3 =	vld [tilespmem:s23+$0xAB80];
	[tilespmem:s22+$0x12320] =	vst v4;
	s22 =	smov.u32 s23  }
0x103: {  	v4 =	vld [tilespmem:s22+$0xAB90];
	[tilespmem:s22+$0x12330] =	vst v0  }
0x104: {  	v0 =	vld [tilespmem:s22+$0xABA0];
	[tilespmem:s22+$0x1233C] =	vst v5  }
0x105: {  	[tilespmem:s22+$0x12220] =	vst v1;
	v1 =	vld [tilespmem:s22+$0xABB0]  }
0x106: {  	[tilespmem:s22+$0x12230] =	vst v2;
	v2 =	vld [tilespmem:s22+$0xABC0]  }
0x107: {  	[tilespmem:s22+$0x12240] =	vst v3;
	v3 =	vld [tilespmem:s22+$0xABD0]  }
0x108: {  	[tilespmem:s22+$0x12250] =	vst v4;
	v4 =	vld [tilespmem:s22+$0xABE0]  }
0x109: {  	[tilespmem:s22+$0x12260] =	vst v0;
	v0 =	vld [tilespmem:s22+$0xABF0]  }
0x10a: {  	[tilespmem:s22+$0x12270] =	vst v1;
	v5 =	vld [tilespmem:s22+$0xAC00]  }
0x10b: {  	[tilespmem:s22+$0x12280] =	vst v2;
	v6 =	vld [tilespmem:s22+$0xAC10]  }
0x10c: {  	[tilespmem:s22+$0x12290] =	vst v3;
	v7 =	vld [tilespmem:s22+$0xAC20]  }
.Ltmp4:
0x10d: {  	[tilespmem:s22+$0x122A0] =	vst v4;
	v1 =	vld [tilespmem:s22+$0xAC30];
	(pc) =	sbr.rel @p0 .LBB2_10-.Ltmp4, $4  }
0x10e: {  	[tilespmem:s22+$0x122B0] =	vst v0;
	v2 =	vld [tilespmem:s22+$0xAC40]  }
0x10f: {  	[tilespmem:s22+$0x122C0] =	vst v5;
	v3 =	vld [tilespmem:s22+$0xAC50]  }
0x110: {  	s23 =	sshra.s32 s24, $0x2;
	[tilespmem:s22+$0x122D0] =	vst v6;
	v4 =	vld [tilespmem:s22+$0xAC60]  }
0x111: {  	s24 =	sadd.s32 $0x4C0, s24;
	v0 =	vld [tilespmem:s23+$0xAC70];
	[tilespmem:s22+$0x122E0] =	vst v7  }
0x112: {  	v5 =	vld [tilespmem:s23+$0xAC7C];
	[tilespmem:s22+$0x122F0] =	vst v1  }
0x113: {  	v1 =	vld [tilespmem:s23+$0xAB60];
	[tilespmem:s22+$0x12300] =	vst v2  }
0x114: {  	v2 =	vld [tilespmem:s23+$0xAB70];
	[tilespmem:s22+$0x12310] =	vst v3  }
0x115: {  	v3 =	vld [tilespmem:s23+$0xAB80];
	[tilespmem:s22+$0x12320] =	vst v4  }
0x116: {  	v4 =	vld [tilespmem:s23+$0xAB90];
	[tilespmem:s23+$0x12330] =	vst v0  }
0x117: {  	v51 =	vld [tilespmem:s23+$0xABA0];
	[tilespmem:s23+$0x1233C] =	vst v5  }
0x118: {  	v52 =	vld [tilespmem:s23+$0xABB0];
	[tilespmem:s23+$0x12220] =	vst v1  }
0x119: {  	v53 =	vld [tilespmem:s23+$0xABC0];
	[tilespmem:s23+$0x12230] =	vst v2  }
0x11a: {  	v54 =	vld [tilespmem:s23+$0xABD0];
	[tilespmem:s23+$0x12240] =	vst v3  }
0x11b: {  	v55 =	vld [tilespmem:s23+$0xABE0];
	[tilespmem:s23+$0x12250] =	vst v4  }
0x11c: {  	v56 =	vld [tilespmem:s23+$0xABF0];
	[tilespmem:s23+$0x12260] =	vst v51  }
0x11d: {  	v57 =	vld [tilespmem:s23+$0xAC00];
	[tilespmem:s23+$0x12270] =	vst v52  }
0x11e: {  	v58 =	vld [tilespmem:s23+$0xAC10];
	[tilespmem:s23+$0x12280] =	vst v53  }
0x11f: {  	v59 =	vld [tilespmem:s23+$0xAC20];
	[tilespmem:s23+$0x12290] =	vst v54  }
0x120: {  	v60 =	vld [tilespmem:s23+$0xAC30];
	[tilespmem:s23+$0x122A0] =	vst v55  }
0x121: {  	v61 =	vld [tilespmem:s23+$0xAC40];
	[tilespmem:s23+$0x122B0] =	vst v56  }
0x122: {  	v62 =	vld [tilespmem:s23+$0xAC50];
	[tilespmem:s23+$0x122C0] =	vst v57  }
0x123: {  	v63 =	vld [tilespmem:s23+$0xAC60];
	[tilespmem:s23+$0x122D0] =	vst v58  }
0x124: {  	[tilespmem:s23+$0x122E0] =	vst v59  }
0x125: {  	[tilespmem:s23+$0x122F0] =	vst v60  }
0x126: {  	s21 =	sadd.s32 $0x1, s21;
	[tilespmem:s23+$0x12300] =	vst v61  }
0x127: {  	p0 =	sne.s32 s21, s9;
	[tilespmem:s23+$0x12310] =	vst v62  }
.Ltmp5:
0x128: {  	[tilespmem:s23+$0x12320] =	vst v63;
	(pc) =	sbr.rel @p0 .LBB2_1-.Ltmp5, $4  }
0x129: {  	[hbm4b:s8+s3] =	stream.linear.scatter [tilespmem:s18], [sflag:$0x4], $0x3B60, $0x38;
	[tilespmem:$0x15D80] =	vst v63  }
0x12a: {  	_ =	swait.ge [sflag:s19], $0x3B60  }
0x12b: {  	[sflag:s19] =	ssyncset.done $0x0  }
0x12c: {  	[sflag:s19] =	ssyncadd.s32 $0xFFFFC4A0  }
0x12d: {  	_ =	sfence.sel $0x180000  }
0x12e: {  	[bflag:$0x0] =	sbarrier.arrive $0xFFFF  }
0x12f: {  	p0 =	sne.s32 s0, $0x0;
	_ =	strace $0x90000047  }
0x130: {  	s0 =	sadd.s32 @!p0 $0x100000, s1;
	[bflag:$0x2] =	sbarrier.arrive $0xFFFF  }
0x131: {  	[sflag:s0] =	ssyncadd.tile.s32 @!p0 $0x1;
	_ =	shalt  }
.Lfunc_end2:
_tile_overlayer_lowered:
.L_overlay_start_2:
0x132: {  	(tag) =	ssettag $0x2  }
0x133: {  	s0 =	rddreg [dreg:$0x0];
	s2 =	stileid.u32  }
0x134: {  	s1 =	rddreg [dreg:$0x1];
	p0 =	sne.s32 s2, $0x0  }
0x135: {  	s3 =	rddreg [dreg:$0x2];
	[bflag:$0x3] =	sbarrier.arrive $0xFFFF;
	s2 =	simm.s32 @!p0 $0x1C05  }
0x136: {  	[timem:s3], [sflag:s2] =	dma.local @!p0 [hbm:s0], s1  }
0x137: {  	s0 =	simm.s32 @!p0 $0x5  }
0x138: {  	_ =	swait.ge @!p0 [sflag:s0], s1  }
0x139: {  	s1 =	ssub.s32 @!p0 $0x0, s1;
	[sflag:s0] =	ssyncset.done @!p0 $0x0  }
0x13a: {  	[sflag:s0] =	ssyncadd.s32 @!p0 s1  }
0x13b: {  	[bflag:$0x3] =	sbarrier.arrive $0xFFFF  }
0x13c: {  	_ =	shalt  }

// kernel: sparse-core-data-format-call.cloned.1.call-start
scs
called_computation_lowered:
.L_overlay_start_0:
0x0: {  	s2 =	sld [smem:$0x3FD9]  }
0x1: {  	s3 =	sld [smem:$0x3FFE];
	_ =	sdelay $0x1  }
0x2: {  	s1 =	srdreg.scid  }
0x3: {  	s0 =	sand.u32 $0x1, s1  }
0x4: {  	s18 =	sshll.u32 s0, $0xA;
	s2 =	sadd.s32 s3, s2  }
0x5: {  	s2 =	sadd.s32 s2, s18  }
0x6: {  	[smem:$0x3FC6] =	sst s2  }
0x7: {  	_ = 	snop  }
0x8: {  	s2 =	sld [smem:$0x3FD0];
	(tm) =	ssettm $0x1  }
0x9: {  	s19 =	sld [smem:$0x3FFB];
	_ =	sdelay $0x3  }
0xa: {  	_ =	strace s19  }
0xb: {  	s3 =	sld [smem:$0x3FFC];
	_ =	sdelay $0x3  }
0xc: {  	_ =	strace s3  }
0xd: {  	s3 =	sld [smem:$0x3FFD];
	_ =	sdelay $0x3  }
0xe: {  	_ =	strace s3  }
0xf: {  	_ =	strace $0x8FFFFFFF  }
0x10: {  	s20 =	sld [smem:$0x3FDB];
	_ =	sdelay $0x1  }
0x11: {  	s4 =	simm.s32 $_scs_section_size  }
0x12: {  	s5 =	simm.s32 $_size__tile_overlayer_lowered;
	s6 =	simm.s32 $_tile_overlayer_lowered  }
0x13: {  	s23 =	simm.s32 $0x1BFF;
	s22 =	sshll.u32 s6, $0x1;
	s3 =	sadd.s32 s4, s20  }
0x14: {  	s7 =	simm.s32 $0x0;
	s21 =	sshll.u32 s5, $0x1;
	s5 =	sadd.s32 s22, s3  }
0x15: {  	[timem:s7], [sflag:s23] =	dma.local [hbm:s5], s21  }
0x16: {  	_ =	swait.ge [sflag:s23], s21  }
0x17: {  	s4 =	ssub.s32 $0x0, s21;
	[sflag:s23] =	ssyncset.done $0x0  }
0x18: {  	[sflag:s23] =	ssyncadd.s32 s4;
	_ =	sdelay $0x1  }
0x19: {  	s24 =	simm.s32 $0x1B8B  }
0x1a: {  	_ =	swait.ge [sflag:s24], $0x1  }
0x1b: {  	[sflag:s24] =	ssyncset.done $0x0  }
0x1c: {  	s26 =	simm.s32 $0x1B8E;
	s25 =	sld [smem:$0x3FFE];
	[sflag:s24] =	ssyncadd.s32 $0xFFFFFFFF  }
0x1d: {  	s27 =	simm.s32 $execute0_lowered;
	[smem:$0x3FD2] =	sst s26  }
0x1e: {  	s5 =	sshll.u32 s27, $0x1;
	_ =	strace $0x80000049;
	[dreg:$0x1] =	wrdreg $0xFFFFFFFF  }
0x1f: {  	s28 =	simm.s32 $_size_execute0_lowered;
	s3 =	sadd.s32 s3, s5;
	[dreg:$0x0] =	wrdreg $0x0  }
0x20: {  	s5 =	sshll.u32 s28, $0x1;
	[dreg:$0x2] =	wrdreg s3  }
0x21: {  	[dreg:$0x3] =	wrdreg s5  }
0x22: {  	[dreg:$0x4] =	wrdreg $0xC0  }
0x23: {  	_ =	task [dreg:s7], $0x5FFFF  }
0x24: {  	[dreg:$0x1] =	wrdreg $0xFFFFFFFF  }
0x25: {  	[dreg:$0x0] =	wrdreg $0x60  }
0x26: {  	[dreg:$0x2] =	wrdreg s25  }
0x27: {  	[dreg:$0x3] =	wrdreg s2  }
0x28: {  	[dreg:$0x4] =	wrdreg $0x9  }
0x29: {  	_ =	task.clear_ibuf [dreg:s7], $0x5FFFF;
	_ =	strace $0x90000049  }
0x2a: {  	s29 =	simm.s32 $0x9;
	_ =	strace $0x8000004B  }
0x2b: {  	_ =	swait.ge [sflag:s29], $0x1  }
0x2c: {  	[sflag:s29] =	ssyncadd.s32 $0xFFFFFFFF  }
0x2d: {  	_ =	strace $0x9000004B  }
0x2e: {  	_ =	sfence  }
0x2f: {  	s30 =	sld [smem:$0x0];
	_ =	sdelay $0x2  }
0x30: {  	s31 =	sshll.u32 s1, $0xD;
	s1 =	sshrl.u32 s1, $0x2  }
0x31: {  	s3 =	sand.u32 $0x4000, s31;
	s1 =	sadd.s32 s1, s30  }
0x32: {  	s0 =	sor.u32 s3, s0;
	s1 =	sshll.u32 s1, $0x11  }
0x33: {  	s0 =	sor.u32 s1, s0  }
0x34: {  	s0 =	sadd.s32 $0x8F2B, s0  }
0x35: {  	[sflag:s0] =	ssyncadd.remote.s32 $0x1  }
0x36: {  	_ =	sfence.sel $0xFFFF  }
0x37: {  	[dreg:$0x0] =	wrdreg $0xFFFFFFFF;
	(pc) =	sbr.abs _section_cstart, $3  }
0x38: {  	[dreg:$0x1] =	wrdreg $0xFFFFFFFF  }
0x39: {  	_ =	task.clear_ibuf [dreg:s7], $0x2FFFF;
	_ =	strace $0x9FFFFFFF  }
0x3a: {  	(tm) =	ssettm $0x7FFFFFFF  }
0x3b: {  	_ =	shalt  }
tec
execute0_lowered:
.L_overlay_start_1:
0x0: {  	(tag) =	ssettag $0x1  }
0x1: {  	s0 =	srdreg.scid;
	s6 =	rddreg [dreg:$0x0]  }
0x2: {  	s3 =	rddreg [dreg:$0x1];
	s1 =	sshll.u32 s0, $0x4  }
0x3: {  	s5 =	simm.s32 $0x1;
	s0 =	stileid.u32;
	s1 =	sand.u32 $0x10, s1  }
0x4: {  	s31 =	simm.s32 $0x2;
	s18 =	simm.s32 $0x0;
	s1 =	sor.u32 s0, s1  }
0x5: {  	s8 =	simm.s32 $0xC8000;
	s17 =	simm.s32 $0x0;
	s2 =	sshll.u32 s1, $0x7  }
0x6: {  	s16 =	simm.s32 $0x0;
	s9 =	simm.s32 $0x0;
	s4 =	ssub.s32 $0x1000, s2  }
0x7: {  	s10 =	simm.s32 $0x0;
	s11 =	simm.s32 $0x0;
	s30 =	sand.u32 $0xF80, s4  }
0x8: {  	s12 =	simm.s32 $0x0;
	s13 =	simm.s32 $0x0;
	p0 =	sne.s32 s30, $0x0  }
.Ltmp0:
0x9: {  	s7 =	sshrl.u32 s4, $0xC;
	s5 =	simm.s32 @!p0 $0x0;
	(pc) =	sbr.rel .LBB1_1-.Ltmp0, $4  }
0xa: {  	s15 =	simm.s32 $0x0;
	s1 =	rddreg [dreg:$0x2];
	s5 =	sadd.s32 s5, s7  }
0xb: {  	_ =	strace $0x8000004A;
	s4 =	simm.s32 $0x1;
	s5 =	smul.u32 $0x258, s5  }
0xc: {  	s6 =	sadd.s32 $0x1DCC800, s6;
	s14 =	smov.u32 s2;
	[sflag:s4] =	ssyncpa.u1 $0x0  }
0xd: {  	[sflag:s31] =	ssyncpa.u1 $0x0;
	p0 =	por $0x0, $0x0;
	s7 =	sor.u32 $0x1, s5  }
.LBB1_4:
0xe: {  	s23 =	sshra.s32 s23, $0x2;
	s24 =	sshll.u32 s10, $0xC  }
0xf: {  	p1 =	sgt.s32 s10, $0xC7;
	s26 =	smov.u32 s10;
	s27 =	sshra.s32 s10, $0x1F  }
0x10: {  	s28 =	smov.u32 s9;
	s29 =	sshra.s32 s11, $0x1F;
	s22 =	sadd.s32 s23, s22  }
0x11: {  	s30 =	sand.u32 $0xFFFF8000, s24;
	s24 =	sshll.u32 s11, $0x3;
	s26 =	simm.s32 @!p1 $0xC7  }
0x12: {  	p1 =	sgt.s32 s9, $0xAC;
	s27 =	sand.u32 s27, s10;
	s31 =	sand.u32 s29, s11  }
0x13: {  	s29 =	sshll.u32 s10, $0x7;
	s25 =	sand.u32 $0xFFFFFC00, s24;
	s28 =	simm.s32 @!p1 $0xAC  }
0x14: {  	p1 =	sgt.s32 s11, $0xF80;
	s23 =	sadd.s32 s25, s30;
	s25 =	ssub.s32 s26, s27  }
0x15: {  	[tilespmem:s21+$0x2040 ss:$0x81] =	vst.msk $0xffff, v4;
	s27 =	smov.u32 s11;
	s30 =	sshra.s32 s9, $0x1F;
	s26 =	sadd.s32 $0xFFFFFF39, s25  }
0x16: {  	v5 =	vld [tilespmem:s20+$0xFFFFFFD0];
	[tilespmem:s21+$0x2850 ss:$0x81] =	vst.msk $0xffff, v3;
	s27 =	simm.s32 @!p1 $0xF80;
	s23 =	sshrl.u32 s23, $0xC;
	s25 =	ssub.s32 $0xC8, s25  }
0x17: {  	v58 =	vld [tilespmem:s20+$0xFFFFFFE0];
	[tilespmem:s21+$0x3060 ss:$0x81] =	vst.msk $0xffff, v2;
	p1 =	sgt.s32 s26, $0x0;
	s26 =	ssub.s32 s27, s31;
	s27 =	sand.u32 s30, s9  }
0x18: {  	v59 =	vld [tilespmem:s20+$0xFFFFFFF0];
	[tilespmem:s21+$0x0 ss:$0x81] =	vst.msk $0xffff, v1;
	s21 =	smulhi.u32 $0x147AE15, s23;
	s30 =	sand.u32 $0x78, s11;
	s27 =	ssub.s32 s28, s27  }
0x19: {  	v60 =	vld [tilespmem:s20+$0x0];
	s25 =	simm.s32 @p1 $0x0;
	s31 =	sadd.s32 $0xFFFFF080, s26;
	s26 =	ssub.s32 $0x1000, s26  }
0x1a: {  	v61 =	vld [tilespmem:s20+$0x10];
	[tilespmem:s22+$0x3870 ss:$0x81] =	vst.msk $0xffff, v0;
	p1 =	sgt.s32 s31, $0x7F;
	s28 =	sadd.s32 $0xFFFFFF54, s27;
	s31 =	sand.u32 $0x380, s29  }
0x1b: {  	v62 =	vld [tilespmem:s20+$0x20];
	[tilespmem:s22+$0x810 ss:$0x81] =	vst.msk $0xffff, v5;
	s29 =	sand.u32 $0xC00, s24;
	s21 =	smul.u32 $0xC8, s21;
	s24 =	ssub.s32 $0x12C, s27  }
0x1c: {  	v63 =	vld [tilespmem:s20+$0xFFFFFFC0];
	[tilespmem:s22+$0x1020 ss:$0x81] =	vst.msk $0xffff, v58;
	s26 =	simm.s32 @p1 $0x0;
	s20 =	sor.u32 s30, s29;
	s30 =	smul.u32 $0x19000, s9  }
0x1d: {  	[tilespmem:s22+$0x1830 ss:$0x81] =	vst.msk $0xffff, v59;
	p1 =	sgt.s32 s28, $0x7F;
	s28 =	sand.u32 $0x7, s11;
	s25 =	smul.u32 s26, s25  }
0x1e: {  	[tilespmem:s22+$0x2040 ss:$0x81] =	vst.msk $0xffff, v60;
	s24 =	simm.s32 @p1 $0x0;
	s20 =	sor.u32 s31, s20;
	s21 =	ssub.s32 s23, s21  }
0x1f: {  	[tilespmem:s22+$0x2850 ss:$0x81] =	vst.msk $0xffff, v61;
	s20 =	sshrl.u32 s20, $0x3;
	s27 =	sadd.s32 s3, s30;
	s31 =	smul.u32 s24, s25  }
0x20: {  	[tilespmem:s22+$0x3060 ss:$0x81] =	vst.msk $0xffff, v62;
	s29 =	sshll.u32 s28, $0x12;
	s21 =	sshll.u32 s21, $0x9;
	s20 =	sadd.s32 s20, s27  }
0x21: {  	[tilespmem:s22+$0x0 ss:$0x81] =	vst.msk $0xffff, v63;
	s20 =	sadd.s32 s21, s20;
	s30 =	sand.u32 $0x3FFFFFFF, s31;
	s31 =	sor.u32 $0x80, s29  }
0x22: {  	[hbm4b:s20+s31] =	stream.strided.scatter [tilespmem:s19], [sflag:$0x2], s30, s8, s31, $0x20;
	[tilespmem:$0x10100] =	vst v63  }
.LBB1_5:
0x23: {  	p1 =	slt.u32 s15, $0x2  }
0x24: {  	p2 =	sgt.s32 @!p1 s18, $0xAC  }
0x25: {  	s19 =	smov.u32 s18;
	s20 =	sshra.s32 @!p1 s18, $0x1F;
	p2 =	por !p2, p1  }
0x26: {  	s18 =	sand.u32 @!p1 s20, s18;
	s19 =	simm.s32 @p2 $0xAC  }
0x27: {  	s20 =	sshra.s32 @!p1 s17, $0x1F;
	p2 =	sgt.s32 @!p1 s17, $0xC7;
	s18 =	ssub.s32 @!p1 s19, s18  }
0x28: {  	p2 =	por !p2, p1;
	s19 =	smov.u32 s17;
	s17 =	sand.u32 @!p1 s20, s17  }
0x29: {  	s20 =	sshra.s32 @!p1 s16, $0x1F;
	s19 =	simm.s32 @p2 $0xC7;
	p2 =	sgt.s32 @!p1 s16, $0xF80  }
0x2a: {  	s17 =	ssub.s32 @!p1 s19, s17;
	p2 =	por !p2, p1;
	s19 =	smov.u32 s16  }
0x2b: {  	s16 =	sand.u32 @!p1 s20, s16;
	s20 =	sadd.s32 @!p1 $0xFFFFFF39, s17;
	s19 =	simm.s32 @p2 $0xF80  }
0x2c: {  	p2 =	sgt.s32 @!p1 s20, $0x0;
	s16 =	ssub.s32 @!p1 s19, s16  }
0x2d: {  	s17 =	ssub.s32 @!p1 $0xC8, s17;
	p2 =	por !p2, p1;
	s19 =	sadd.s32 @!p1 $0xFFFFF080, s16  }
0x2e: {  	s17 =	simm.s32 @!p2 $0x0;
	p2 =	sgt.s32 @!p1 s19, $0x7F  }
0x2f: {  	s21 =	smov.u32 s14;
	s16 =	ssub.s32 @!p1 $0x1000, s16;
	p2 =	por !p2, p1  }
0x30: {  	s20 =	sadd.s32 @!p1 $0xFFFFFF54, s18;
	s19 =	sadd.s32 $0x80, s12;
	s16 =	simm.s32 @!p2 $0x0  }
0x31: {  	p2 =	sgt.s32 s19, $0x12B;
	s16 =	smul.u32 @!p1 s16, s17;
	s17 =	simm.s32 $0x1  }
0x32: {  	p0 =	por !p0, !p0;
	p3 =	sgt.s32 @!p1 s20, $0x7F;
	s17 =	simm.s32 @!p2 $0x0  }
0x33: {  	s18 =	ssub.s32 @!p1 $0x12C, s18;
	p3 =	por !p3, p1;
	s20 =	sadd.s32 s17, s13  }
0x34: {  	s18 =	simm.s32 @!p3 $0x0;
	s17 =	sadd.s32 $0x1000, s14;
	p3 =	sgt.s32 s20, $0xC7  }
0x35: {  	s22 =	simm.s32 @!p1 $0x2;
	s19 =	simm.s32 @p2 $0x0;
	s21 =	smov.u32 @p3 s17  }
0x36: {  	s16 =	smul.u32 @!p1 s18, s16;
	s18 =	smov.u32 s9;
	p2 =	sgt.s32 s21, $0xFFF  }
0x37: {  	s9 =	smov.u32 s12;
	s21 =	smov.u32 @p2 s2;
	p2 =	sne.s32 s15, s7  }
.Ltmp1:
0x38: {  	s12 =	smov.u32 s19;
	s16 =	sand.u32 @!p1 $0x3FFFFFFF, s16;
	(pc) =	sbr.rel @!p2 .LBB1_6-.Ltmp1, $4  }
0x39: {  	s20 =	simm.s32 @p3 $0x0;
	s17 =	smov.u32 s10;
	s10 =	smov.u32 s13  }
0x3a: {  	_ =	swait.ge @!p1 [sflag:s22], s16;
	s23 =	ssub.s32 @!p1 $0x0, s16;
	s16 =	smov.u32 s11  }
0x3b: {  	s11 =	smov.u32 s14;
	s13 =	smov.u32 s20;
	[sflag:s22] =	ssyncset.done @!p1 $0x0  }
0x3c: {  	s15 =	sadd.s32 $0x1, s15;
	[sflag:s22] =	ssyncadd.s32 @!p1 s23;
	s14 =	smov.u32 s21  }
.LBB1_1:
0x3d: {  	p1 =	sge.u32 s15, s5  }
0x3e: {  	s19 =	sshrl.u32 @!p1 s13, $0x3  }
0x3f: {  	s20 =	sshll.u32 @!p1 s12, $0x3;
	s19 =	smul.u32 @!p1 $0xC00, s19  }
0x40: {  	s21 =	sshll.u32 @!p1 s13, $0x7;
	s20 =	sand.u32 @!p1 $0xFFFFFC00, s20  }
0x41: {  	s19 =	sadd.s32 @!p1 s19, s20;
	s20 =	sand.u32 @!p1 $0x380, s21  }
0x42: {  	s19 =	sor.u32 @!p1 s20, s19  }
0x43: {  	s20 =	sand.u32 @!p1 $0x7F, s12;
	s21 =	smulhi.u32 @!p1 $0xAAAAAAAB, s19  }
0x44: {  	s19 =	sor.u32 @!p1 s20, s19  }
0x45: {  	s20 =	smulhi.u32 @!p1 $0xAAAAAAAB, s19;
	s21 =	sshrl.u32 @!p1 s21, $0x8  }
0x46: {  	s22 =	smulhi.u32 @!p1 $0x147AE15, s21;
	_ =	sdelay $0x1  }
0x47: {  	s20 =	sshrl.u32 @!p1 s20, $0x8;
	s22 =	smul.u32 @!p1 $0xC8, s22  }
0x48: {  	s31 =	sadd.s32 $0xFFFFFFFF, s15;
	s20 =	smul.u32 @!p1 $0x180, s20  }
0x49: {  	s23 =	sxor.u32 @!p1 $0xFFFFFFFF, s15;
	s21 =	ssub.s32 @!p1 s21, s22;
	s22 =	smul.u32 @!p1 $0x2580, s14  }
0x4a: {  	s23 =	sshll.u32 @!p1 s23, $0xE;
	s19 =	ssub.s32 @!p1 s19, s20;
	s20 =	smul.u32 @!p1 $0x30, s21  }
0x4b: {  	s21 =	sand.u32 @!p1 $0x4000, s23;
	s23 =	sand.u32 @!p1 $0x7, s19;
	s22 =	sadd.s32 @!p1 s6, s22  }
0x4c: {  	s19 =	sshrl.u32 @!p1 s19, $0x3;
	s20 =	sadd.s32 @!p1 s20, s22;
	s22 =	sshll.u32 @!p1 s23, $0x12  }
0x4d: {  	s19 =	sadd.s32 @!p1 s19, s20;
	s20 =	sor.u32 @!p1 $0x80, s22;
	s22 =	simm.s32 @!p1 $0x12C00  }
0x4e: {  	[tilespmem:s21], [sflag:$0x1] =	stream.strided.gather @!p1 [hbm4b:s19+s20], $0x4000, s22, s20, $0x38;
	[tilespmem:$0x10100] =	vst v63  }
0x4f: {  	p1 =	sge.u32 s31, s5  }
.Ltmp2:
0x50: {  	_ = 	snop;
	(pc) =	sbr.rel @p1 .LBB1_5-.Ltmp2, $1  }
0x51: {  	_ =	sdelay $0x3  }
0x52: {  	s19 =	simm.s32 $0x1  }
0x53: {  	_ =	swait.ge [sflag:s4], $0x4000;
	s19 =	simm.s32 @!p0 $0x0  }
0x54: {  	[sflag:s4] =	ssyncset.done $0x0;
	s20 =	sshll.u32 s19, $0xE  }
0x55: {  	[sflag:s4] =	ssyncadd.s32 $0xFFFFC000;
	s20 =	sor.u32 $0x40, s20  }
0x56: {  	s19 =	smul.u32 $0x10200, s19;
	v0 =	vld [tilespmem:s20+$0x30]  }
0x57: {  	v1 =	vld [tilespmem:s20+$0xFFFFFFD0]  }
0x58: {  	s19 =	sshrl.u32 s19, $0x2;
	v5 =	vld [tilespmem:s20+$0xFFFFFFE0]  }
0x59: {  	v6 =	vld [tilespmem:s20+$0xFFFFFFF0];
	s22 =	sor.u32 $0x8000, s19  }
0x5a: {  	s31 =	sand.u32 $0x1, s15;
	v4 =	vld [tilespmem:s20+$0x0];
	s21 =	sadd.s32 $0x0, s22  }
0x5b: {  	v3 =	vld [tilespmem:s20+$0x10];
	s19 =	smul.u32 $0x10200, s31;
	[tilespmem:s21+$0x3870 ss:$0x81] =	vst.msk $0xffff, v0  }
0x5c: {  	v2 =	vld [tilespmem:s20+$0x20];
	[tilespmem:s21+$0x810 ss:$0x81] =	vst.msk $0xffff, v1  }
0x5d: {  	s19 =	sshrl.u32 s19, $0x2;
	v1 =	vld [tilespmem:s20+$0xFFFFFFC0];
	[tilespmem:s21+$0x1020 ss:$0x81] =	vst.msk $0xffff, v5;
	s20 =	sadd.s32 $0x80, s20  }
0x5e: {  	s23 =	simm.s32 $0x4;
	s24 =	simm.s32 $0x8;
	s19 =	sor.u32 $0x8000, s19;
	[tilespmem:s21+$0x1830 ss:$0x81] =	vst.msk $0xffff, v6;
	v0 =	vld [tilespmem:s20+$0x30]  }
.LBB1_3:
0x5f: {  	p1 =	sne.s32 s24, $0x1FC;
	v5 =	vld [tilespmem:s20+$0xFFFFFFD0];
	[tilespmem:s21+$0x2040 ss:$0x81] =	vst.msk $0xffff, v4  }
0x60: {  	v6 =	vld [tilespmem:s20+$0xFFFFFFE0];
	[tilespmem:s21+$0x2850 ss:$0x81] =	vst.msk $0xffff, v3  }
0x61: {  	s25 =	sshra.s32 s23, $0x2;
	s23 =	smov.u32 s24;
	v7 =	vld [tilespmem:s20+$0xFFFFFFF0];
	[tilespmem:s21+$0x3060 ss:$0x81] =	vst.msk $0xffff, v2  }
.Ltmp3:
0x62: {  	v4 =	vld [tilespmem:s20+$0x0];
	[tilespmem:s21+$0x0 ss:$0x81] =	vst.msk $0xffff, v1;
	s21 =	sadd.s32 s25, s22;
	(pc) =	sbr.rel @p1 .LBB1_3-.Ltmp3, $4  }
0x63: {  	v3 =	vld [tilespmem:s20+$0x10];
	[tilespmem:s21+$0x3870 ss:$0x81] =	vst.msk $0xffff, v0  }
0x64: {  	[tilespmem:s21+$0x810 ss:$0x81] =	vst.msk $0xffff, v5;
	v2 =	vld [tilespmem:s20+$0x20]  }
0x65: {  	v1 =	vld [tilespmem:s20+$0xFFFFFFC0];
	[tilespmem:s21+$0x1020 ss:$0x81] =	vst.msk $0xffff, v6;
	s20 =	sadd.s32 $0x80, s20  }
0x66: {  	s24 =	sadd.s32 $0x4, s24;
	v0 =	vld [tilespmem:s20+$0x30];
	[tilespmem:s21+$0x1830 ss:$0x81] =	vst.msk $0xffff, v7  }
.Ltmp4:
0x67: {  	_ = 	snop;
	(pc) =	sbr.rel .LBB1_4-.Ltmp4, $1  }
0x68: {  	_ =	sdelay $0x3  }
.LBB1_6:
0x69: {  	_ =	sfence.sel $0x180000  }
0x6a: {  	s2 =	simm.s32 $0x1;
	[bflag:$0x0] =	sbarrier.arrive $0xFFFF  }
0x6b: {  	s31 =	simm.s32 $0x2;
	[sflag:s2] =	ssyncpa.u1 $0x1  }
0x6c: {  	[sflag:s31] =	ssyncpa.u1 $0x1  }
0x6d: {  	p0 =	sne.s32 s0, $0x0;
	_ =	strace $0x9000004A  }
0x6e: {  	s0 =	sadd.s32 @!p0 $0x100000, s1;
	[bflag:$0x2] =	sbarrier.arrive $0xFFFF  }
0x6f: {  	[sflag:s0] =	ssyncadd.tile.s32 @!p0 $0x1;
	_ =	shalt  }
.Lfunc_end1:
_tile_overlayer_lowered:
.L_overlay_start_2:
0x70: {  	(tag) =	ssettag $0x2  }
0x71: {  	s0 =	rddreg [dreg:$0x0];
	s2 =	stileid.u32  }
0x72: {  	s1 =	rddreg [dreg:$0x1];
	p0 =	sne.s32 s2, $0x0  }
0x73: {  	s3 =	rddreg [dreg:$0x2];
	[bflag:$0x3] =	sbarrier.arrive $0xFFFF;
	s2 =	simm.s32 @!p0 $0x1C01  }
0x74: {  	[timem:s3], [sflag:s2] =	dma.local @!p0 [hbm:s0], s1  }
0x75: {  	s0 =	simm.s32 @!p0 $0x1  }
0x76: {  	_ =	swait.ge @!p0 [sflag:s0], s1  }
0x77: {  	s1 =	ssub.s32 @!p0 $0x0, s1;
	[sflag:s0] =	ssyncset.done @!p0 $0x0  }
0x78: {  	[sflag:s0] =	ssyncadd.s32 @!p0 s1  }
0x79: {  	[bflag:$0x3] =	sbarrier.arrive $0xFFFF  }
0x7a: {  	_ =	shalt  }

</sc_bundles>
